<compile_context>
chip_gen: v7x
topology: tpu7x:2x2x1
jax: 0.10.2.dev20260603
libtpu: 0.0.44.dev20260713+nightly
codegen_flags: <defaults>
</compile_context>

<pallas_src>
import functools

import jax
import jax.numpy as jnp
from jax import lax
from jax.experimental import pallas as pl
from jax.experimental.pallas import tpu as pltpu
from jax.experimental.pallas import tpu_sc as plsc

N_NODES = 10000
N_EDGES = 320000
RBF = 128
EMB = 32
PROJ = 64
OUT = 64

NODE_BLK = 1000
EDGE_BLK = 5000

F32 = jnp.float32


def _node_emb_body(el_ref, ch_ref, nh_ref, hy_ref,
                   ael_ref, ach_ref, anh_ref, ahy_ref, bn_ref, out_ref):
    bn = el_ref.shape[0]
    iota = lax.broadcasted_iota(jnp.int32, (bn, 128), 1)

    def oh_dot(idx_ref, tab_ref):
        oh = (idx_ref[...] == iota).astype(F32)
        return jnp.dot(oh, tab_ref[...], preferred_element_type=F32)

    out_ref[...] = (oh_dot(el_ref, ael_ref) + oh_dot(ch_ref, ach_ref)
                    + oh_dot(nh_ref, anh_ref) + oh_dot(hy_ref, ahy_ref)
                    + bn_ref[...])


def _node_emb_call(el, ch, nh, hy, a_el, a_ch, a_nh, a_hy, bn_row,
                   interpret=False):
    grid = (N_NODES // NODE_BLK,)
    idx_spec = pl.BlockSpec((NODE_BLK, 1), lambda i: (i, 0))
    full = lambda shape: pl.BlockSpec(shape, lambda i: (0, 0))
    return pl.pallas_call(
        _node_emb_body,
        grid=grid,
        in_specs=[idx_spec, idx_spec, idx_spec, idx_spec,
                  full((128, EMB)), full((128, EMB)), full((128, EMB)),
                  full((128, EMB)), full((1, EMB))],
        out_specs=pl.BlockSpec((NODE_BLK, EMB), lambda i: (i, 0)),
        out_shape=jax.ShapeDtypeStruct((N_NODES, EMB), F32),
        interpret=interpret,
    )(el, ch, nh, hy, a_el, a_ch, a_nh, a_hy, bn_row)


_NW = 32
_PER_W = N_EDGES // _NW
_CH = 80
_NCH = _PER_W // _CH
_GW = 128

@functools.cache
def _make_sc_gather():
    mesh = plsc.VectorSubcoreMesh(core_axis_name="c", subcore_axis_name="s",
                                  num_cores=2, num_subcores=16)

    @functools.partial(
        pl.kernel,
        out_type=jax.ShapeDtypeStruct((N_EDGES, _GW), F32),
        mesh=mesh,
        scratch_types=[
            pltpu.VMEM((_PER_W,), jnp.int32),
            pltpu.VMEM((_PER_W,), jnp.int32),
            pltpu.VMEM((_PER_W,), jnp.int32),
            pltpu.VMEM((_CH, EMB), F32),
            pltpu.VMEM((_CH, EMB), F32),
            pltpu.VMEM((_CH, PROJ), F32),
            pltpu.VMEM((_CH, EMB), F32),
            pltpu.VMEM((_CH, EMB), F32),
            pltpu.VMEM((_CH, PROJ), F32),
            pltpu.SemaphoreType.DMA,
            pltpu.SemaphoreType.DMA,
            pltpu.SemaphoreType.DMA,
            pltpu.SemaphoreType.DMA,
            pltpu.SemaphoreType.DMA,
            pltpu.SemaphoreType.DMA,
        ],
        compiler_params=pltpu.CompilerParams(use_tc_tiling_on_sc=False),
    )
    def _sc_gather(ne_hbm, src_hbm, dst_hbm, s_hbm, tsm_hbm, g_hbm,
                   idx_s, idx_d, idx_t,
                   rs0, rd0, rt0, rs1, rd1, rt1,
                   ss0, sd0, st0, ss1, sd1, st1):
        wid = lax.axis_index("s") * 2 + lax.axis_index("c")
        base = pl.multiple_of(wid * _PER_W, 8)
        pltpu.sync_copy(src_hbm.at[pl.ds(base, _PER_W)], idx_s)
        pltpu.sync_copy(dst_hbm.at[pl.ds(base, _PER_W)], idx_d)
        pltpu.sync_copy(s_hbm.at[pl.ds(base, _PER_W)], idx_t)

        def issue(i, rs, rd, rt, ss, sd, st):
            off = pl.multiple_of(i * _CH, 8)
            pltpu.async_copy(ne_hbm.at[idx_s.at[pl.ds(off, _CH)]], rs, ss)
            pltpu.async_copy(ne_hbm.at[idx_d.at[pl.ds(off, _CH)]], rd, sd)
            pltpu.async_copy(tsm_hbm.at[idx_t.at[pl.ds(off, _CH)]], rt, st)

        def drain_wb(i, rs, rd, rt, ss, sd, st):
            pltpu.make_async_copy(ne_hbm.at[pl.ds(0, _CH)], rs, ss).wait()
            pltpu.make_async_copy(ne_hbm.at[pl.ds(0, _CH)], rd, sd).wait()
            pltpu.make_async_copy(
                g_hbm.at[pl.ds(0, _CH), pl.ds(0, PROJ)], rt, st).wait()
            gbase = pl.multiple_of(base + i * _CH, 8)
            rows = g_hbm.at[pl.ds(gbase, _CH)]
            pltpu.sync_copy(rs, rows.at[:, pl.ds(0, EMB)])
            pltpu.sync_copy(rd, rows.at[:, pl.ds(EMB, EMB)])
            pltpu.sync_copy(rt, rows.at[:, pl.ds(2 * EMB, PROJ)])

        issue(0, rs0, rd0, rt0, ss0, sd0, st0)

        def body(k, carry):
            i0 = 2 * k
            issue(i0 + 1, rs1, rd1, rt1, ss1, sd1, st1)
            drain_wb(i0, rs0, rd0, rt0, ss0, sd0, st0)
            issue(i0 + 2, rs0, rd0, rt0, ss0, sd0, st0)
            drain_wb(i0 + 1, rs1, rd1, rt1, ss1, sd1, st1)
            return carry

        lax.fori_loop(0, (_NCH - 1) // 2, body, 0)
        drain_wb(_NCH - 1, rs0, rd0, rt0, ss0, sd0, st0)

    return _sc_gather


def _edge_body(r_ref, g_ref, w1r_ref, wg_ref, gam_ref, bet_ref,
               w2_ref, b2_ref, out_ref):
    h = (jnp.dot(r_ref[...], w1r_ref[...], preferred_element_type=F32)
         + jnp.dot(g_ref[...], wg_ref[...], preferred_element_type=F32))
    m = jnp.mean(h, axis=-1, keepdims=True)
    v = jnp.mean((h - m) * (h - m), axis=-1, keepdims=True)
    hn = (h - m) * lax.rsqrt(v + 1e-5) * gam_ref[...] + bet_ref[...]
    hs = hn * lax.logistic(hn)
    out_ref[...] = (jnp.dot(hs, w2_ref[...], preferred_element_type=F32)
                    + b2_ref[...])


def _edge_call(R, G, w1r, wg, gam, bet, w2, b2, interpret=False):
    grid = (N_EDGES // EDGE_BLK,)
    row = lambda w: pl.BlockSpec((EDGE_BLK, w), lambda i: (i, 0))
    full = lambda shape: pl.BlockSpec(shape, lambda i: (0, 0))
    return pl.pallas_call(
        _edge_body,
        grid=grid,
        in_specs=[row(RBF), row(_GW),
                  full((RBF, PROJ)), full((_GW, PROJ)),
                  full((1, PROJ)), full((1, PROJ)),
                  full((PROJ, OUT)), full((1, OUT))],
        out_specs=pl.BlockSpec((EDGE_BLK, OUT), lambda i: (i, 0)),
        out_shape=jax.ShapeDtypeStruct((N_EDGES, OUT), F32),
        interpret=interpret,
    )(R, G, w1r, wg, gam, bet, w2, b2)


def _fold_weights(tb_bond, tb_ring, tb_arom, We, be,
                  t_el, t_ch, t_nh, t_hy, Wn, bn, W1, b1):
    def pad128(a):
        return jnp.zeros((128, EMB), F32).at[:a.shape[0]].set(a)

    a_el = pad128(t_el @ Wn[0:32])
    a_ch = pad128(t_ch @ Wn[32:64])
    a_nh = pad128(t_nh @ Wn[64:96])
    a_hy = pad128(t_hy @ Wn[96:128])

    cat = ((tb_bond @ We[0:32])[:, None, None, :]
           + (tb_ring @ We[32:64])[None, :, None, :]
           + (tb_arom @ We[64:96])[None, None, :, :]
           + be)
    t_small = (cat.reshape(32, EMB) @ W1[RBF:RBF + EMB]) + b1

    w1r = W1[:RBF]
    w1s = W1[RBF + EMB:RBF + 2 * EMB]
    w1d = W1[RBF + 2 * EMB:RBF + 3 * EMB]
    wg = jnp.concatenate([w1s, w1d, jnp.eye(PROJ, dtype=F32)], axis=0)
    return a_el, a_ch, a_nh, a_hy, t_small, w1r, wg


def kernel(R, edge_index, bond_order, is_in_ring, is_aromatic, element,
           charge, nhyd, hyb, tb_bond, tb_ring, tb_arom, We, be, t_el, t_ch,
           t_nh, t_hy, Wn, bn, W1, b1, ln_g, ln_b, W2, b2):
    a_el, a_ch, a_nh, a_hy, t_small, w1r, wg = _fold_weights(
        tb_bond, tb_ring, tb_arom, We, be, t_el, t_ch, t_nh, t_hy, Wn, bn,
        W1, b1)

    col = lambda a: a.reshape(-1, 1).astype(jnp.int32)
    ne = _node_emb_call(col(element), col(charge), col(nhyd), col(hyb),
                        a_el, a_ch, a_nh, a_hy, bn.reshape(1, EMB))

    src = edge_index[:, 0].astype(jnp.int32)
    dst = edge_index[:, 1].astype(jnp.int32)
    s = (bond_order * 4 + is_in_ring * 2 + is_aromatic
         + 32 * (jnp.arange(N_EDGES) // _PER_W)).astype(jnp.int32)
    tsm_rep = jnp.tile(t_small, (_NW, 1))
    G = _make_sc_gather()(ne, src, dst, s, tsm_rep)

    return _edge_call(R, G, w1r, wg, ln_g.reshape(1, PROJ),
                      ln_b.reshape(1, PROJ), W2, b2.reshape(1, OUT))

# --- scband reference (transcript-rebuilt; emitter-appended) ---
"""Pipeline reference for scband-edge-projector-87677462380702 (READ-ONLY COPY).

The authoritative reference and input builder live on the scoring server;
editing this copy changes nothing except your own understanding.
"""

import jax, jax.numpy as jnp
import numpy as np

N_NODES = 10000
N_EDGES = 320000
RBF = 128
EMB = 32
OUT = 64
PROJ = 64

def _ln(x, g, b, eps=1e-5):
    m = jnp.mean(x, axis=-1, keepdims=True)
    v = jnp.var(x, axis=-1, keepdims=True)
    return (x - m) / jnp.sqrt(v + eps) * g + b

def setup_inputs(seed: int = 0):
    key = jax.random.key(seed)
    ks = jax.random.split(key, 26)
    inp = {}
    inp["R"] = jax.random.normal(ks[0], (N_EDGES, RBF), dtype=jnp.float32)
    inp["edge_index"] = jax.random.randint(ks[1], (N_EDGES, 2), 0, N_NODES)
    inp["bond_order"] = jax.random.randint(ks[2], (N_EDGES,), 0, 8)
    inp["is_in_ring"] = jax.random.randint(ks[3], (N_EDGES,), 0, 2)
    inp["is_aromatic"] = jax.random.randint(ks[4], (N_EDGES,), 0, 2)
    inp["element"] = jax.random.randint(ks[5], (N_NODES,), 0, 100)
    inp["charge"] = jax.random.randint(ks[6], (N_NODES,), 0, 16)
    inp["nhyd"] = jax.random.randint(ks[7], (N_NODES,), 0, 8)
    inp["hyb"] = jax.random.randint(ks[8], (N_NODES,), 0, 8)
    inp["tb_bond"] = jax.random.normal(ks[9], (8, EMB), dtype=jnp.float32)
    inp["tb_ring"] = jax.random.normal(ks[10], (2, EMB), dtype=jnp.float32)
    inp["tb_arom"] = jax.random.normal(ks[11], (2, EMB), dtype=jnp.float32)
    inp["We"] = jax.random.normal(ks[12], (3 * EMB, EMB), dtype=jnp.float32) * 0.05
    inp["be"] = jnp.zeros((EMB,), dtype=jnp.float32)
    inp["t_el"] = jax.random.normal(ks[13], (100, EMB), dtype=jnp.float32)
    inp["t_ch"] = jax.random.normal(ks[14], (16, EMB), dtype=jnp.float32)
    inp["t_nh"] = jax.random.normal(ks[15], (8, EMB), dtype=jnp.float32)
    inp["t_hy"] = jax.random.normal(ks[16], (8, EMB), dtype=jnp.float32)
    inp["Wn"] = jax.random.normal(ks[17], (4 * EMB, EMB), dtype=jnp.float32) * 0.05
    inp["bn"] = jnp.zeros((EMB,), dtype=jnp.float32)
    in_size = RBF + EMB + 2 * EMB
    inp["W1"] = jax.random.normal(ks[18], (in_size, PROJ), dtype=jnp.float32) * 0.05
    inp["b1"] = jnp.zeros((PROJ,), dtype=jnp.float32)
    inp["ln_g"] = jnp.ones((PROJ,), dtype=jnp.float32)
    inp["ln_b"] = jnp.zeros((PROJ,), dtype=jnp.float32)
    inp["W2"] = jax.random.normal(ks[19], (PROJ, OUT), dtype=jnp.float32) * 0.05
    inp["b2"] = jnp.zeros((OUT,), dtype=jnp.float32)
    return inp

def reference(R, edge_index, bond_order, is_in_ring, is_aromatic, element, charge, nhyd, hyb, tb_bond, tb_ring, tb_arom, We, be, t_el, t_ch, t_nh, t_hy, Wn, bn, W1, b1, ln_g, ln_b, W2, b2):
    # EdgeEmbedder: per-feature embedding lookup, concat, linear projection
    edge_cat = jnp.concatenate([
        jnp.take(tb_bond, bond_order, axis=0),
        jnp.take(tb_ring, is_in_ring, axis=0),
        jnp.take(tb_arom, is_aromatic, axis=0),
    ], axis=-1)
    edge_emb = edge_cat @ We + be
    # NodeEmbedder (source_embedding used for both src and dst, matching original forward)
    node_cat = jnp.concatenate([
        jnp.take(t_el, element, axis=0),
        jnp.take(t_ch, charge, axis=0),
        jnp.take(t_nh, nhyd, axis=0),
        jnp.take(t_hy, hyb, axis=0),
    ], axis=-1)
    node_emb = node_cat @ Wn + bn
    src = jnp.take(node_emb, edge_index[:, 0], axis=0)
    dst = jnp.take(node_emb, edge_index[:, 1], axis=0)
    x = jnp.concatenate([R, edge_emb, src, dst], axis=-1)
    # RadialFunction: Linear -> LayerNorm -> SiLU -> Linear
    h = _ln(x @ W1 + b1, ln_g, ln_b)
    h = jax.nn.silu(h)
    return h @ W2 + b2

if __name__ == "__main__":
    import jax
    _d = setup_inputs()
    print(jax.jit(kernel)(*tuple(_d.values())))

</pallas_src>

<mosaic_0001>
#map = affine_map<(d0, d1) -> (0, 0)>
#map1 = affine_map<(d0, d1) -> (0)>
module attributes {stable_mosaic.version = 14 : i64} {
  func.func @_sc_gather(%arg0: i32, %arg1: i32, %arg2: memref<10000x32xf32, #tpu.memory_space<hbm>>, %arg3: memref<320000xi32, #tpu.memory_space<hbm>>, %arg4: memref<320000xi32, #tpu.memory_space<hbm>>, %arg5: memref<320000xi32, #tpu.memory_space<hbm>>, %arg6: memref<1024x64xf32, #tpu.memory_space<hbm>>, %arg7: memref<320000x128xf32, #tpu.memory_space<hbm>>, %arg8: memref<10000xi32, #tpu.memory_space<vmem>>, %arg9: memref<10000xi32, #tpu.memory_space<vmem>>, %arg10: memref<10000xi32, #tpu.memory_space<vmem>>, %arg11: memref<80x32xf32, #tpu.memory_space<vmem>>, %arg12: memref<80x32xf32, #tpu.memory_space<vmem>>, %arg13: memref<80x64xf32, #tpu.memory_space<vmem>>, %arg14: memref<80x32xf32, #tpu.memory_space<vmem>>, %arg15: memref<80x32xf32, #tpu.memory_space<vmem>>, %arg16: memref<80x64xf32, #tpu.memory_space<vmem>>, %arg17: memref<!tpu.dma_semaphore, #tpu.memory_space<semaphore_mem>>, %arg18: memref<!tpu.dma_semaphore, #tpu.memory_space<semaphore_mem>>, %arg19: memref<!tpu.dma_semaphore, #tpu.memory_space<semaphore_mem>>, %arg20: memref<!tpu.dma_semaphore, #tpu.memory_space<semaphore_mem>>, %arg21: memref<!tpu.dma_semaphore, #tpu.memory_space<semaphore_mem>>, %arg22: memref<!tpu.dma_semaphore, #tpu.memory_space<semaphore_mem>>) attributes {dimension_semantics = [#tpu.dimension_semantics<core_parallel>, #tpu.dimension_semantics<subcore_parallel>], iteration_bounds = array<i64: 2, 16>, scalar_prefetch = 0 : i64, scratch_operands = 15 : i64, tpu.core_type = #tpu.core_type<sc_vector_subcore>, window_params = [{transform_indices = #map}, {transform_indices = #map1}, {transform_indices = #map1}, {transform_indices = #map1}, {transform_indices = #map}, {transform_indices = #map}]} {
    %mul3A = arith.constant 2 : i32
    %mul3A_0 = arith.muli %arg1, %mul3A : i32
    %add3A = arith.addi %mul3A_0, %arg0 : i32
    %mul3A_1 = arith.constant 10000 : i32
    %mul3A_2 = arith.muli %add3A, %mul3A_1 : i32
    %multiple_of3A = tpu.assume_multiple %mul3A_2, 8 : i32
    "tpu.region"() ({
      %run_scoped3A = tpu.sem_alloc : memref<!tpu.dma_semaphore, #tpu.memory_space<semaphore_mem>>
      %dma_start3A_41 = tpu.memref_slice %arg3[%multiple_of3A] : memref<320000xi32, #tpu.memory_space<hbm>> -> memref<10000xi32, #tpu.memory_space<hbm>>
      %dma_start3A_42 = tpu.memref_slice %arg3[%multiple_of3A] : memref<320000xi32, #tpu.memory_space<hbm>> -> memref<10000xi32, #tpu.memory_space<hbm>>
      tpu.enqueue_dma source(%dma_start3A_42 : memref<10000xi32, #tpu.memory_space<hbm>>) target(%arg8 : memref<10000xi32, #tpu.memory_space<vmem>>) target_semaphore(%run_scoped3A : memref<!tpu.dma_semaphore, #tpu.memory_space<semaphore_mem>>)
      %dma_wait3A_43 = tpu.memref_slice %arg3[%multiple_of3A] : memref<320000xi32, #tpu.memory_space<hbm>> -> memref<10000xi32, #tpu.memory_space<hbm>>
      %dma_wait3A_44 = tpu.memref_slice %arg3[%multiple_of3A] : memref<320000xi32, #tpu.memory_space<hbm>> -> memref<10000xi32, #tpu.memory_space<hbm>>
      tpu.wait_dma2 semaphore(%run_scoped3A : memref<!tpu.dma_semaphore, #tpu.memory_space<semaphore_mem>>) src(%dma_wait3A_44 : memref<10000xi32, #tpu.memory_space<hbm>>) dst(%arg8 : memref<10000xi32, #tpu.memory_space<vmem>>)
      tpu.yield
    }) : () -> ()
    "tpu.region"() ({
      %run_scoped3A = tpu.sem_alloc : memref<!tpu.dma_semaphore, #tpu.memory_space<semaphore_mem>>
      %dma_start3A_41 = tpu.memref_slice %arg4[%multiple_of3A] : memref<320000xi32, #tpu.memory_space<hbm>> -> memref<10000xi32, #tpu.memory_space<hbm>>
      %dma_start3A_42 = tpu.memref_slice %arg4[%multiple_of3A] : memref<320000xi32, #tpu.memory_space<hbm>> -> memref<10000xi32, #tpu.memory_space<hbm>>
      tpu.enqueue_dma source(%dma_start3A_42 : memref<10000xi32, #tpu.memory_space<hbm>>) target(%arg9 : memref<10000xi32, #tpu.memory_space<vmem>>) target_semaphore(%run_scoped3A : memref<!tpu.dma_semaphore, #tpu.memory_space<semaphore_mem>>)
      %dma_wait3A_43 = tpu.memref_slice %arg4[%multiple_of3A] : memref<320000xi32, #tpu.memory_space<hbm>> -> memref<10000xi32, #tpu.memory_space<hbm>>
      %dma_wait3A_44 = tpu.memref_slice %arg4[%multiple_of3A] : memref<320000xi32, #tpu.memory_space<hbm>> -> memref<10000xi32, #tpu.memory_space<hbm>>
      tpu.wait_dma2 semaphore(%run_scoped3A : memref<!tpu.dma_semaphore, #tpu.memory_space<semaphore_mem>>) src(%dma_wait3A_44 : memref<10000xi32, #tpu.memory_space<hbm>>) dst(%arg9 : memref<10000xi32, #tpu.memory_space<vmem>>)
      tpu.yield
    }) : () -> ()
    "tpu.region"() ({
      %run_scoped3A = tpu.sem_alloc : memref<!tpu.dma_semaphore, #tpu.memory_space<semaphore_mem>>
      %dma_start3A_41 = tpu.memref_slice %arg5[%multiple_of3A] : memref<320000xi32, #tpu.memory_space<hbm>> -> memref<10000xi32, #tpu.memory_space<hbm>>
      %dma_start3A_42 = tpu.memref_slice %arg5[%multiple_of3A] : memref<320000xi32, #tpu.memory_space<hbm>> -> memref<10000xi32, #tpu.memory_space<hbm>>
      tpu.enqueue_dma source(%dma_start3A_42 : memref<10000xi32, #tpu.memory_space<hbm>>) target(%arg10 : memref<10000xi32, #tpu.memory_space<vmem>>) target_semaphore(%run_scoped3A : memref<!tpu.dma_semaphore, #tpu.memory_space<semaphore_mem>>)
      %dma_wait3A_43 = tpu.memref_slice %arg5[%multiple_of3A] : memref<320000xi32, #tpu.memory_space<hbm>> -> memref<10000xi32, #tpu.memory_space<hbm>>
      %dma_wait3A_44 = tpu.memref_slice %arg5[%multiple_of3A] : memref<320000xi32, #tpu.memory_space<hbm>> -> memref<10000xi32, #tpu.memory_space<hbm>>
      tpu.wait_dma2 semaphore(%run_scoped3A : memref<!tpu.dma_semaphore, #tpu.memory_space<semaphore_mem>>) src(%dma_wait3A_44 : memref<10000xi32, #tpu.memory_space<hbm>>) dst(%arg10 : memref<10000xi32, #tpu.memory_space<vmem>>)
      tpu.yield
    }) : () -> ()
    %multiple_of3A_3 = arith.constant 0 : i32
    %multiple_of3A_4 = tpu.assume_multiple %multiple_of3A_3, 8 : i32
    %dma_start3A = tpu.memref_slice %arg8[%multiple_of3A_4] : memref<10000xi32, #tpu.memory_space<vmem>> -> memref<80xi32, #tpu.memory_space<vmem>>
    %dma_start3A_5 = arith.constant 0 : i32
    %dma_start3A_6 = arith.constant 0 : i32
    %dma_start3A_7 = tpu.memref_slice %arg2[%dma_start3A_5, %dma_start3A_6] : memref<10000x32xf32, #tpu.memory_space<hbm>> -> memref<10000x32xf32, #tpu.memory_space<hbm>>
    tpu.enqueue_indirect_dma source(%dma_start3A_7 : memref<10000x32xf32, #tpu.memory_space<hbm>>) target(%arg11 : memref<80x32xf32, #tpu.memory_space<vmem>>) offsets(%dma_start3A : memref<80xi32, #tpu.memory_space<vmem>>) semaphore(%arg17 : memref<!tpu.dma_semaphore, #tpu.memory_space<semaphore_mem>>)
    %dma_start3A_8 = tpu.memref_slice %arg9[%multiple_of3A_4] : memref<10000xi32, #tpu.memory_space<vmem>> -> memref<80xi32, #tpu.memory_space<vmem>>
    %dma_start3A_9 = arith.constant 0 : i32
    %dma_start3A_10 = arith.constant 0 : i32
    %dma_start3A_11 = tpu.memref_slice %arg2[%dma_start3A_9, %dma_start3A_10] : memref<10000x32xf32, #tpu.memory_space<hbm>> -> memref<10000x32xf32, #tpu.memory_space<hbm>>
    tpu.enqueue_indirect_dma source(%dma_start3A_11 : memref<10000x32xf32, #tpu.memory_space<hbm>>) target(%arg12 : memref<80x32xf32, #tpu.memory_space<vmem>>) offsets(%dma_start3A_8 : memref<80xi32, #tpu.memory_space<vmem>>) semaphore(%arg18 : memref<!tpu.dma_semaphore, #tpu.memory_space<semaphore_mem>>)
    %dma_start3A_12 = tpu.memref_slice %arg10[%multiple_of3A_4] : memref<10000xi32, #tpu.memory_space<vmem>> -> memref<80xi32, #tpu.memory_space<vmem>>
    %dma_start3A_13 = arith.constant 0 : i32
    %dma_start3A_14 = arith.constant 0 : i32
    %dma_start3A_15 = tpu.memref_slice %arg6[%dma_start3A_13, %dma_start3A_14] : memref<1024x64xf32, #tpu.memory_space<hbm>> -> memref<1024x64xf32, #tpu.memory_space<hbm>>
    tpu.enqueue_indirect_dma source(%dma_start3A_15 : memref<1024x64xf32, #tpu.memory_space<hbm>>) target(%arg13 : memref<80x64xf32, #tpu.memory_space<vmem>>) offsets(%dma_start3A_12 : memref<80xi32, #tpu.memory_space<vmem>>) semaphore(%arg19 : memref<!tpu.dma_semaphore, #tpu.memory_space<semaphore_mem>>)
    %scan3A = arith.constant 0 : i32
    %scan3A_16 = arith.constant 0 : i32
    %scan3A_17 = arith.constant 62 : i32
    %scan3A_18 = arith.addi %scan3A_16, %scan3A_17 : i32
    %scan3A_19 = arith.constant 1 : i32
    scf.for %scan3A_41 = %scan3A_16 to %scan3A_18 step %scan3A_19  : i32 {
      %mul3A_42 = arith.constant 2 : i32
      %mul3A_43 = arith.muli %mul3A_42, %scan3A_41 : i32
      %add3A_44 = arith.constant 1 : i32
      %add3A_45 = arith.addi %mul3A_43, %add3A_44 : i32
      %mul3A_46 = arith.constant 80 : i32
      %mul3A_47 = arith.muli %add3A_45, %mul3A_46 : i32
      %multiple_of3A_48 = tpu.assume_multiple %mul3A_47, 8 : i32
      %dma_start3A_49 = tpu.memref_slice %arg8[%multiple_of3A_48] : memref<10000xi32, #tpu.memory_space<vmem>> -> memref<80xi32, #tpu.memory_space<vmem>>
      %dma_start3A_50 = arith.constant 0 : i32
      %dma_start3A_51 = arith.constant 0 : i32
      %dma_start3A_52 = tpu.memref_slice %arg2[%dma_start3A_50, %dma_start3A_51] : memref<10000x32xf32, #tpu.memory_space<hbm>> -> memref<10000x32xf32, #tpu.memory_space<hbm>>
      tpu.enqueue_indirect_dma source(%dma_start3A_52 : memref<10000x32xf32, #tpu.memory_space<hbm>>) target(%arg14 : memref<80x32xf32, #tpu.memory_space<vmem>>) offsets(%dma_start3A_49 : memref<80xi32, #tpu.memory_space<vmem>>) semaphore(%arg20 : memref<!tpu.dma_semaphore, #tpu.memory_space<semaphore_mem>>)
      %dma_start3A_53 = tpu.memref_slice %arg9[%multiple_of3A_48] : memref<10000xi32, #tpu.memory_space<vmem>> -> memref<80xi32, #tpu.memory_space<vmem>>
      %dma_start3A_54 = arith.constant 0 : i32
      %dma_start3A_55 = arith.constant 0 : i32
      %dma_start3A_56 = tpu.memref_slice %arg2[%dma_start3A_54, %dma_start3A_55] : memref<10000x32xf32, #tpu.memory_space<hbm>> -> memref<10000x32xf32, #tpu.memory_space<hbm>>
      tpu.enqueue_indirect_dma source(%dma_start3A_56 : memref<10000x32xf32, #tpu.memory_space<hbm>>) target(%arg15 : memref<80x32xf32, #tpu.memory_space<vmem>>) offsets(%dma_start3A_53 : memref<80xi32, #tpu.memory_space<vmem>>) semaphore(%arg21 : memref<!tpu.dma_semaphore, #tpu.memory_space<semaphore_mem>>)
      %dma_start3A_57 = tpu.memref_slice %arg10[%multiple_of3A_48] : memref<10000xi32, #tpu.memory_space<vmem>> -> memref<80xi32, #tpu.memory_space<vmem>>
      %dma_start3A_58 = arith.constant 0 : i32
      %dma_start3A_59 = arith.constant 0 : i32
      %dma_start3A_60 = tpu.memref_slice %arg6[%dma_start3A_58, %dma_start3A_59] : memref<1024x64xf32, #tpu.memory_space<hbm>> -> memref<1024x64xf32, #tpu.memory_space<hbm>>
      tpu.enqueue_indirect_dma source(%dma_start3A_60 : memref<1024x64xf32, #tpu.memory_space<hbm>>) target(%arg16 : memref<80x64xf32, #tpu.memory_space<vmem>>) offsets(%dma_start3A_57 : memref<80xi32, #tpu.memory_space<vmem>>) semaphore(%arg22 : memref<!tpu.dma_semaphore, #tpu.memory_space<semaphore_mem>>)
      %dma_wait3A_61 = arith.constant 0 : i32
      %dma_wait3A_62 = arith.constant 0 : i32
      %dma_wait3A_63 = tpu.memref_slice %arg2[%dma_wait3A_61, %dma_wait3A_62] : memref<10000x32xf32, #tpu.memory_space<hbm>> -> memref<80x32xf32, #tpu.memory_space<hbm>>
      %dma_wait3A_64 = arith.constant 0 : i32
      %dma_wait3A_65 = arith.constant 0 : i32
      %dma_wait3A_66 = tpu.memref_slice %arg2[%dma_wait3A_64, %dma_wait3A_65] : memref<10000x32xf32, #tpu.memory_space<hbm>> -> memref<80x32xf32, #tpu.memory_space<hbm>>
      tpu.wait_dma2 semaphore(%arg17 : memref<!tpu.dma_semaphore, #tpu.memory_space<semaphore_mem>>) src(%dma_wait3A_66 : memref<80x32xf32, #tpu.memory_space<hbm>>) dst(%arg11 : memref<80x32xf32, #tpu.memory_space<vmem>>)
      %dma_wait3A_67 = arith.constant 0 : i32
      %dma_wait3A_68 = arith.constant 0 : i32
      %dma_wait3A_69 = tpu.memref_slice %arg2[%dma_wait3A_67, %dma_wait3A_68] : memref<10000x32xf32, #tpu.memory_space<hbm>> -> memref<80x32xf32, #tpu.memory_space<hbm>>
      %dma_wait3A_70 = arith.constant 0 : i32
      %dma_wait3A_71 = arith.constant 0 : i32
      %dma_wait3A_72 = tpu.memref_slice %arg2[%dma_wait3A_70, %dma_wait3A_71] : memref<10000x32xf32, #tpu.memory_space<hbm>> -> memref<80x32xf32, #tpu.memory_space<hbm>>
      tpu.wait_dma2 semaphore(%arg18 : memref<!tpu.dma_semaphore, #tpu.memory_space<semaphore_mem>>) src(%dma_wait3A_72 : memref<80x32xf32, #tpu.memory_space<hbm>>) dst(%arg12 : memref<80x32xf32, #tpu.memory_space<vmem>>)
      %dma_wait3A_73 = arith.constant 0 : i32
      %dma_wait3A_74 = arith.constant 0 : i32
      %dma_wait3A_75 = tpu.memref_slice %arg7[%dma_wait3A_73, %dma_wait3A_74] : memref<320000x128xf32, #tpu.memory_space<hbm>> -> memref<80x64xf32, #tpu.memory_space<hbm>>
      %dma_wait3A_76 = arith.constant 0 : i32
      %dma_wait3A_77 = arith.constant 0 : i32
      %dma_wait3A_78 = tpu.memref_slice %arg7[%dma_wait3A_76, %dma_wait3A_77] : memref<320000x128xf32, #tpu.memory_space<hbm>> -> memref<80x64xf32, #tpu.memory_space<hbm>>
      tpu.wait_dma2 semaphore(%arg19 : memref<!tpu.dma_semaphore, #tpu.memory_space<semaphore_mem>>) src(%dma_wait3A_78 : memref<80x64xf32, #tpu.memory_space<hbm>>) dst(%arg13 : memref<80x64xf32, #tpu.memory_space<vmem>>)
      %mul3A_79 = arith.constant 80 : i32
      %mul3A_80 = arith.muli %mul3A_43, %mul3A_79 : i32
      %add3A_81 = arith.addi %multiple_of3A, %mul3A_80 : i32
      %multiple_of3A_82 = tpu.assume_multiple %add3A_81, 8 : i32
      "tpu.region"() ({
        %run_scoped3A = tpu.sem_alloc : memref<!tpu.dma_semaphore, #tpu.memory_space<semaphore_mem>>
        %dma_start3A_124 = arith.constant 0 : i32
        %dma_start3A_125 = tpu.memref_slice %arg7[%multiple_of3A_82, %dma_start3A_124] : memref<320000x128xf32, #tpu.memory_space<hbm>> -> memref<80x128xf32, #tpu.memory_space<hbm>>
        %dma_start3A_126 = arith.constant 0 : i32
        %dma_start3A_127 = arith.constant 0 : i32
        %dma_start3A_128 = tpu.memref_slice %dma_start3A_125[%dma_start3A_126, %dma_start3A_127] : memref<80x128xf32, #tpu.memory_space<hbm>> -> memref<80x32xf32, #tpu.memory_space<hbm>>
        %dma_start3A_129 = arith.constant 0 : i32
        %dma_start3A_130 = tpu.memref_slice %arg7[%multiple_of3A_82, %dma_start3A_129] : memref<320000x128xf32, #tpu.memory_space<hbm>> -> memref<80x128xf32, #tpu.memory_space<hbm>>
        %dma_start3A_131 = arith.constant 0 : i32
        %dma_start3A_132 = arith.constant 0 : i32
        %dma_start3A_133 = tpu.memref_slice %dma_start3A_130[%dma_start3A_131, %dma_start3A_132] : memref<80x128xf32, #tpu.memory_space<hbm>> -> memref<80x32xf32, #tpu.memory_space<hbm>>
        tpu.enqueue_dma source(%arg11 : memref<80x32xf32, #tpu.memory_space<vmem>>) target(%dma_start3A_133 : memref<80x32xf32, #tpu.memory_space<hbm>>) target_semaphore(%run_scoped3A : memref<!tpu.dma_semaphore, #tpu.memory_space<semaphore_mem>>)
        %dma_wait3A_134 = arith.constant 0 : i32
        %dma_wait3A_135 = tpu.memref_slice %arg7[%multiple_of3A_82, %dma_wait3A_134] : memref<320000x128xf32, #tpu.memory_space<hbm>> -> memref<80x128xf32, #tpu.memory_space<hbm>>
        %dma_wait3A_136 = arith.constant 0 : i32
        %dma_wait3A_137 = arith.constant 0 : i32
        %dma_wait3A_138 = tpu.memref_slice %dma_wait3A_135[%dma_wait3A_136, %dma_wait3A_137] : memref<80x128xf32, #tpu.memory_space<hbm>> -> memref<80x32xf32, #tpu.memory_space<hbm>>
        %dma_wait3A_139 = arith.constant 0 : i32
        %dma_wait3A_140 = tpu.memref_slice %arg7[%multiple_of3A_82, %dma_wait3A_139] : memref<320000x128xf32, #tpu.memory_space<hbm>> -> memref<80x128xf32, #tpu.memory_space<hbm>>
        %dma_wait3A_141 = arith.constant 0 : i32
        %dma_wait3A_142 = arith.constant 0 : i32
        %dma_wait3A_143 = tpu.memref_slice %dma_wait3A_140[%dma_wait3A_141, %dma_wait3A_142] : memref<80x128xf32, #tpu.memory_space<hbm>> -> memref<80x32xf32, #tpu.memory_space<hbm>>
        tpu.wait_dma2 semaphore(%run_scoped3A : memref<!tpu.dma_semaphore, #tpu.memory_space<semaphore_mem>>) src(%arg11 : memref<80x32xf32, #tpu.memory_space<vmem>>) dst(%dma_wait3A_143 : memref<80x32xf32, #tpu.memory_space<hbm>>)
        tpu.yield
      }) : () -> ()
      "tpu.region"() ({
        %run_scoped3A = tpu.sem_alloc : memref<!tpu.dma_semaphore, #tpu.memory_space<semaphore_mem>>
        %dma_start3A_124 = arith.constant 0 : i32
        %dma_start3A_125 = tpu.memref_slice %arg7[%multiple_of3A_82, %dma_start3A_124] : memref<320000x128xf32, #tpu.memory_space<hbm>> -> memref<80x128xf32, #tpu.memory_space<hbm>>
        %dma_start3A_126 = arith.constant 0 : i32
        %dma_start3A_127 = arith.constant 32 : i32
        %dma_start3A_128 = tpu.memref_slice %dma_start3A_125[%dma_start3A_126, %dma_start3A_127] : memref<80x128xf32, #tpu.memory_space<hbm>> -> memref<80x32xf32, #tpu.memory_space<hbm>>
        %dma_start3A_129 = arith.constant 0 : i32
        %dma_start3A_130 = tpu.memref_slice %arg7[%multiple_of3A_82, %dma_start3A_129] : memref<320000x128xf32, #tpu.memory_space<hbm>> -> memref<80x128xf32, #tpu.memory_space<hbm>>
        %dma_start3A_131 = arith.constant 0 : i32
        %dma_start3A_132 = arith.constant 32 : i32
        %dma_start3A_133 = tpu.memref_slice %dma_start3A_130[%dma_start3A_131, %dma_start3A_132] : memref<80x128xf32, #tpu.memory_space<hbm>> -> memref<80x32xf32, #tpu.memory_space<hbm>>
        tpu.enqueue_dma source(%arg12 : memref<80x32xf32, #tpu.memory_space<vmem>>) target(%dma_start3A_133 : memref<80x32xf32, #tpu.memory_space<hbm>>) target_semaphore(%run_scoped3A : memref<!tpu.dma_semaphore, #tpu.memory_space<semaphore_mem>>)
        %dma_wait3A_134 = arith.constant 0 : i32
        %dma_wait3A_135 = tpu.memref_slice %arg7[%multiple_of3A_82, %dma_wait3A_134] : memref<320000x128xf32, #tpu.memory_space<hbm>> -> memref<80x128xf32, #tpu.memory_space<hbm>>
        %dma_wait3A_136 = arith.constant 0 : i32
        %dma_wait3A_137 = arith.constant 32 : i32
        %dma_wait3A_138 = tpu.memref_slice %dma_wait3A_135[%dma_wait3A_136, %dma_wait3A_137] : memref<80x128xf32, #tpu.memory_space<hbm>> -> memref<80x32xf32, #tpu.memory_space<hbm>>
        %dma_wait3A_139 = arith.constant 0 : i32
        %dma_wait3A_140 = tpu.memref_slice %arg7[%multiple_of3A_82, %dma_wait3A_139] : memref<320000x128xf32, #tpu.memory_space<hbm>> -> memref<80x128xf32, #tpu.memory_space<hbm>>
        %dma_wait3A_141 = arith.constant 0 : i32
        %dma_wait3A_142 = arith.constant 32 : i32
        %dma_wait3A_143 = tpu.memref_slice %dma_wait3A_140[%dma_wait3A_141, %dma_wait3A_142] : memref<80x128xf32, #tpu.memory_space<hbm>> -> memref<80x32xf32, #tpu.memory_space<hbm>>
        tpu.wait_dma2 semaphore(%run_scoped3A : memref<!tpu.dma_semaphore, #tpu.memory_space<semaphore_mem>>) src(%arg12 : memref<80x32xf32, #tpu.memory_space<vmem>>) dst(%dma_wait3A_143 : memref<80x32xf32, #tpu.memory_space<hbm>>)
        tpu.yield
      }) : () -> ()
      "tpu.region"() ({
        %run_scoped3A = tpu.sem_alloc : memref<!tpu.dma_semaphore, #tpu.memory_space<semaphore_mem>>
        %dma_start3A_124 = arith.constant 0 : i32
        %dma_start3A_125 = tpu.memref_slice %arg7[%multiple_of3A_82, %dma_start3A_124] : memref<320000x128xf32, #tpu.memory_space<hbm>> -> memref<80x128xf32, #tpu.memory_space<hbm>>
        %dma_start3A_126 = arith.constant 0 : i32
        %dma_start3A_127 = arith.constant 64 : i32
        %dma_start3A_128 = tpu.memref_slice %dma_start3A_125[%dma_start3A_126, %dma_start3A_127] : memref<80x128xf32, #tpu.memory_space<hbm>> -> memref<80x64xf32, #tpu.memory_space<hbm>>
        %dma_start3A_129 = arith.constant 0 : i32
        %dma_start3A_130 = tpu.memref_slice %arg7[%multiple_of3A_82, %dma_start3A_129] : memref<320000x128xf32, #tpu.memory_space<hbm>> -> memref<80x128xf32, #tpu.memory_space<hbm>>
        %dma_start3A_131 = arith.constant 0 : i32
        %dma_start3A_132 = arith.constant 64 : i32
        %dma_start3A_133 = tpu.memref_slice %dma_start3A_130[%dma_start3A_131, %dma_start3A_132] : memref<80x128xf32, #tpu.memory_space<hbm>> -> memref<80x64xf32, #tpu.memory_space<hbm>>
        tpu.enqueue_dma source(%arg13 : memref<80x64xf32, #tpu.memory_space<vmem>>) target(%dma_start3A_133 : memref<80x64xf32, #tpu.memory_space<hbm>>) target_semaphore(%run_scoped3A : memref<!tpu.dma_semaphore, #tpu.memory_space<semaphore_mem>>)
        %dma_wait3A_134 = arith.constant 0 : i32
        %dma_wait3A_135 = tpu.memref_slice %arg7[%multiple_of3A_82, %dma_wait3A_134] : memref<320000x128xf32, #tpu.memory_space<hbm>> -> memref<80x128xf32, #tpu.memory_space<hbm>>
        %dma_wait3A_136 = arith.constant 0 : i32
        %dma_wait3A_137 = arith.constant 64 : i32
        %dma_wait3A_138 = tpu.memref_slice %dma_wait3A_135[%dma_wait3A_136, %dma_wait3A_137] : memref<80x128xf32, #tpu.memory_space<hbm>> -> memref<80x64xf32, #tpu.memory_space<hbm>>
        %dma_wait3A_139 = arith.constant 0 : i32
        %dma_wait3A_140 = tpu.memref_slice %arg7[%multiple_of3A_82, %dma_wait3A_139] : memref<320000x128xf32, #tpu.memory_space<hbm>> -> memref<80x128xf32, #tpu.memory_space<hbm>>
        %dma_wait3A_141 = arith.constant 0 : i32
        %dma_wait3A_142 = arith.constant 64 : i32
        %dma_wait3A_143 = tpu.memref_slice %dma_wait3A_140[%dma_wait3A_141, %dma_wait3A_142] : memref<80x128xf32, #tpu.memory_space<hbm>> -> memref<80x64xf32, #tpu.memory_space<hbm>>
        tpu.wait_dma2 semaphore(%run_scoped3A : memref<!tpu.dma_semaphore, #tpu.memory_space<semaphore_mem>>) src(%arg13 : memref<80x64xf32, #tpu.memory_space<vmem>>) dst(%dma_wait3A_143 : memref<80x64xf32, #tpu.memory_space<hbm>>)
        tpu.yield
      }) : () -> ()
      %add3A_83 = arith.constant 2 : i32
      %add3A_84 = arith.addi %mul3A_43, %add3A_83 : i32
      %mul3A_85 = arith.constant 80 : i32
      %mul3A_86 = arith.muli %add3A_84, %mul3A_85 : i32
      %multiple_of3A_87 = tpu.assume_multiple %mul3A_86, 8 : i32
      %dma_start3A_88 = tpu.memref_slice %arg8[%multiple_of3A_87] : memref<10000xi32, #tpu.memory_space<vmem>> -> memref<80xi32, #tpu.memory_space<vmem>>
      %dma_start3A_89 = arith.constant 0 : i32
      %dma_start3A_90 = arith.constant 0 : i32
      %dma_start3A_91 = tpu.memref_slice %arg2[%dma_start3A_89, %dma_start3A_90] : memref<10000x32xf32, #tpu.memory_space<hbm>> -> memref<10000x32xf32, #tpu.memory_space<hbm>>
      tpu.enqueue_indirect_dma source(%dma_start3A_91 : memref<10000x32xf32, #tpu.memory_space<hbm>>) target(%arg11 : memref<80x32xf32, #tpu.memory_space<vmem>>) offsets(%dma_start3A_88 : memref<80xi32, #tpu.memory_space<vmem>>) semaphore(%arg17 : memref<!tpu.dma_semaphore, #tpu.memory_space<semaphore_mem>>)
      %dma_start3A_92 = tpu.memref_slice %arg9[%multiple_of3A_87] : memref<10000xi32, #tpu.memory_space<vmem>> -> memref<80xi32, #tpu.memory_space<vmem>>
      %dma_start3A_93 = arith.constant 0 : i32
      %dma_start3A_94 = arith.constant 0 : i32
      %dma_start3A_95 = tpu.memref_slice %arg2[%dma_start3A_93, %dma_start3A_94] : memref<10000x32xf32, #tpu.memory_space<hbm>> -> memref<10000x32xf32, #tpu.memory_space<hbm>>
      tpu.enqueue_indirect_dma source(%dma_start3A_95 : memref<10000x32xf32, #tpu.memory_space<hbm>>) target(%arg12 : memref<80x32xf32, #tpu.memory_space<vmem>>) offsets(%dma_start3A_92 : memref<80xi32, #tpu.memory_space<vmem>>) semaphore(%arg18 : memref<!tpu.dma_semaphore, #tpu.memory_space<semaphore_mem>>)
      %dma_start3A_96 = tpu.memref_slice %arg10[%multiple_of3A_87] : memref<10000xi32, #tpu.memory_space<vmem>> -> memref<80xi32, #tpu.memory_space<vmem>>
      %dma_start3A_97 = arith.constant 0 : i32
      %dma_start3A_98 = arith.constant 0 : i32
      %dma_start3A_99 = tpu.memref_slice %arg6[%dma_start3A_97, %dma_start3A_98] : memref<1024x64xf32, #tpu.memory_space<hbm>> -> memref<1024x64xf32, #tpu.memory_space<hbm>>
      tpu.enqueue_indirect_dma source(%dma_start3A_99 : memref<1024x64xf32, #tpu.memory_space<hbm>>) target(%arg13 : memref<80x64xf32, #tpu.memory_space<vmem>>) offsets(%dma_start3A_96 : memref<80xi32, #tpu.memory_space<vmem>>) semaphore(%arg19 : memref<!tpu.dma_semaphore, #tpu.memory_space<semaphore_mem>>)
      %add3A_100 = arith.constant 1 : i32
      %add3A_101 = arith.addi %mul3A_43, %add3A_100 : i32
      %dma_wait3A_102 = arith.constant 0 : i32
      %dma_wait3A_103 = arith.constant 0 : i32
      %dma_wait3A_104 = tpu.memref_slice %arg2[%dma_wait3A_102, %dma_wait3A_103] : memref<10000x32xf32, #tpu.memory_space<hbm>> -> memref<80x32xf32, #tpu.memory_space<hbm>>
      %dma_wait3A_105 = arith.constant 0 : i32
      %dma_wait3A_106 = arith.constant 0 : i32
      %dma_wait3A_107 = tpu.memref_slice %arg2[%dma_wait3A_105, %dma_wait3A_106] : memref<10000x32xf32, #tpu.memory_space<hbm>> -> memref<80x32xf32, #tpu.memory_space<hbm>>
      tpu.wait_dma2 semaphore(%arg20 : memref<!tpu.dma_semaphore, #tpu.memory_space<semaphore_mem>>) src(%dma_wait3A_107 : memref<80x32xf32, #tpu.memory_space<hbm>>) dst(%arg14 : memref<80x32xf32, #tpu.memory_space<vmem>>)
      %dma_wait3A_108 = arith.constant 0 : i32
      %dma_wait3A_109 = arith.constant 0 : i32
      %dma_wait3A_110 = tpu.memref_slice %arg2[%dma_wait3A_108, %dma_wait3A_109] : memref<10000x32xf32, #tpu.memory_space<hbm>> -> memref<80x32xf32, #tpu.memory_space<hbm>>
      %dma_wait3A_111 = arith.constant 0 : i32
      %dma_wait3A_112 = arith.constant 0 : i32
      %dma_wait3A_113 = tpu.memref_slice %arg2[%dma_wait3A_111, %dma_wait3A_112] : memref<10000x32xf32, #tpu.memory_space<hbm>> -> memref<80x32xf32, #tpu.memory_space<hbm>>
      tpu.wait_dma2 semaphore(%arg21 : memref<!tpu.dma_semaphore, #tpu.memory_space<semaphore_mem>>) src(%dma_wait3A_113 : memref<80x32xf32, #tpu.memory_space<hbm>>) dst(%arg15 : memref<80x32xf32, #tpu.memory_space<vmem>>)
      %dma_wait3A_114 = arith.constant 0 : i32
      %dma_wait3A_115 = arith.constant 0 : i32
      %dma_wait3A_116 = tpu.memref_slice %arg7[%dma_wait3A_114, %dma_wait3A_115] : memref<320000x128xf32, #tpu.memory_space<hbm>> -> memref<80x64xf32, #tpu.memory_space<hbm>>
      %dma_wait3A_117 = arith.constant 0 : i32
      %dma_wait3A_118 = arith.constant 0 : i32
      %dma_wait3A_119 = tpu.memref_slice %arg7[%dma_wait3A_117, %dma_wait3A_118] : memref<320000x128xf32, #tpu.memory_space<hbm>> -> memref<80x64xf32, #tpu.memory_space<hbm>>
      tpu.wait_dma2 semaphore(%arg22 : memref<!tpu.dma_semaphore, #tpu.memory_space<semaphore_mem>>) src(%dma_wait3A_119 : memref<80x64xf32, #tpu.memory_space<hbm>>) dst(%arg16 : memref<80x64xf32, #tpu.memory_space<vmem>>)
      %mul3A_120 = arith.constant 80 : i32
      %mul3A_121 = arith.muli %add3A_101, %mul3A_120 : i32
      %add3A_122 = arith.addi %multiple_of3A, %mul3A_121 : i32
      %multiple_of3A_123 = tpu.assume_multiple %add3A_122, 8 : i32
      "tpu.region"() ({
        %run_scoped3A = tpu.sem_alloc : memref<!tpu.dma_semaphore, #tpu.memory_space<semaphore_mem>>
        %dma_start3A_124 = arith.constant 0 : i32
        %dma_start3A_125 = tpu.memref_slice %arg7[%multiple_of3A_123, %dma_start3A_124] : memref<320000x128xf32, #tpu.memory_space<hbm>> -> memref<80x128xf32, #tpu.memory_space<hbm>>
        %dma_start3A_126 = arith.constant 0 : i32
        %dma_start3A_127 = arith.constant 0 : i32
        %dma_start3A_128 = tpu.memref_slice %dma_start3A_125[%dma_start3A_126, %dma_start3A_127] : memref<80x128xf32, #tpu.memory_space<hbm>> -> memref<80x32xf32, #tpu.memory_space<hbm>>
        %dma_start3A_129 = arith.constant 0 : i32
        %dma_start3A_130 = tpu.memref_slice %arg7[%multiple_of3A_123, %dma_start3A_129] : memref<320000x128xf32, #tpu.memory_space<hbm>> -> memref<80x128xf32, #tpu.memory_space<hbm>>
        %dma_start3A_131 = arith.constant 0 : i32
        %dma_start3A_132 = arith.constant 0 : i32
        %dma_start3A_133 = tpu.memref_slice %dma_start3A_130[%dma_start3A_131, %dma_start3A_132] : memref<80x128xf32, #tpu.memory_space<hbm>> -> memref<80x32xf32, #tpu.memory_space<hbm>>
        tpu.enqueue_dma source(%arg14 : memref<80x32xf32, #tpu.memory_space<vmem>>) target(%dma_start3A_133 : memref<80x32xf32, #tpu.memory_space<hbm>>) target_semaphore(%run_scoped3A : memref<!tpu.dma_semaphore, #tpu.memory_space<semaphore_mem>>)
        %dma_wait3A_134 = arith.constant 0 : i32
        %dma_wait3A_135 = tpu.memref_slice %arg7[%multiple_of3A_123, %dma_wait3A_134] : memref<320000x128xf32, #tpu.memory_space<hbm>> -> memref<80x128xf32, #tpu.memory_space<hbm>>
        %dma_wait3A_136 = arith.constant 0 : i32
        %dma_wait3A_137 = arith.constant 0 : i32
        %dma_wait3A_138 = tpu.memref_slice %dma_wait3A_135[%dma_wait3A_136, %dma_wait3A_137] : memref<80x128xf32, #tpu.memory_space<hbm>> -> memref<80x32xf32, #tpu.memory_space<hbm>>
        %dma_wait3A_139 = arith.constant 0 : i32
        %dma_wait3A_140 = tpu.memref_slice %arg7[%multiple_of3A_123, %dma_wait3A_139] : memref<320000x128xf32, #tpu.memory_space<hbm>> -> memref<80x128xf32, #tpu.memory_space<hbm>>
        %dma_wait3A_141 = arith.constant 0 : i32
        %dma_wait3A_142 = arith.constant 0 : i32
        %dma_wait3A_143 = tpu.memref_slice %dma_wait3A_140[%dma_wait3A_141, %dma_wait3A_142] : memref<80x128xf32, #tpu.memory_space<hbm>> -> memref<80x32xf32, #tpu.memory_space<hbm>>
        tpu.wait_dma2 semaphore(%run_scoped3A : memref<!tpu.dma_semaphore, #tpu.memory_space<semaphore_mem>>) src(%arg14 : memref<80x32xf32, #tpu.memory_space<vmem>>) dst(%dma_wait3A_143 : memref<80x32xf32, #tpu.memory_space<hbm>>)
        tpu.yield
      }) : () -> ()
      "tpu.region"() ({
        %run_scoped3A = tpu.sem_alloc : memref<!tpu.dma_semaphore, #tpu.memory_space<semaphore_mem>>
        %dma_start3A_124 = arith.constant 0 : i32
        %dma_start3A_125 = tpu.memref_slice %arg7[%multiple_of3A_123, %dma_start3A_124] : memref<320000x128xf32, #tpu.memory_space<hbm>> -> memref<80x128xf32, #tpu.memory_space<hbm>>
        %dma_start3A_126 = arith.constant 0 : i32
        %dma_start3A_127 = arith.constant 32 : i32
        %dma_start3A_128 = tpu.memref_slice %dma_start3A_125[%dma_start3A_126, %dma_start3A_127] : memref<80x128xf32, #tpu.memory_space<hbm>> -> memref<80x32xf32, #tpu.memory_space<hbm>>
        %dma_start3A_129 = arith.constant 0 : i32
        %dma_start3A_130 = tpu.memref_slice %arg7[%multiple_of3A_123, %dma_start3A_129] : memref<320000x128xf32, #tpu.memory_space<hbm>> -> memref<80x128xf32, #tpu.memory_space<hbm>>
        %dma_start3A_131 = arith.constant 0 : i32
        %dma_start3A_132 = arith.constant 32 : i32
        %dma_start3A_133 = tpu.memref_slice %dma_start3A_130[%dma_start3A_131, %dma_start3A_132] : memref<80x128xf32, #tpu.memory_space<hbm>> -> memref<80x32xf32, #tpu.memory_space<hbm>>
        tpu.enqueue_dma source(%arg15 : memref<80x32xf32, #tpu.memory_space<vmem>>) target(%dma_start3A_133 : memref<80x32xf32, #tpu.memory_space<hbm>>) target_semaphore(%run_scoped3A : memref<!tpu.dma_semaphore, #tpu.memory_space<semaphore_mem>>)
        %dma_wait3A_134 = arith.constant 0 : i32
        %dma_wait3A_135 = tpu.memref_slice %arg7[%multiple_of3A_123, %dma_wait3A_134] : memref<320000x128xf32, #tpu.memory_space<hbm>> -> memref<80x128xf32, #tpu.memory_space<hbm>>
        %dma_wait3A_136 = arith.constant 0 : i32
        %dma_wait3A_137 = arith.constant 32 : i32
        %dma_wait3A_138 = tpu.memref_slice %dma_wait3A_135[%dma_wait3A_136, %dma_wait3A_137] : memref<80x128xf32, #tpu.memory_space<hbm>> -> memref<80x32xf32, #tpu.memory_space<hbm>>
        %dma_wait3A_139 = arith.constant 0 : i32
        %dma_wait3A_140 = tpu.memref_slice %arg7[%multiple_of3A_123, %dma_wait3A_139] : memref<320000x128xf32, #tpu.memory_space<hbm>> -> memref<80x128xf32, #tpu.memory_space<hbm>>
        %dma_wait3A_141 = arith.constant 0 : i32
        %dma_wait3A_142 = arith.constant 32 : i32
        %dma_wait3A_143 = tpu.memref_slice %dma_wait3A_140[%dma_wait3A_141, %dma_wait3A_142] : memref<80x128xf32, #tpu.memory_space<hbm>> -> memref<80x32xf32, #tpu.memory_space<hbm>>
        tpu.wait_dma2 semaphore(%run_scoped3A : memref<!tpu.dma_semaphore, #tpu.memory_space<semaphore_mem>>) src(%arg15 : memref<80x32xf32, #tpu.memory_space<vmem>>) dst(%dma_wait3A_143 : memref<80x32xf32, #tpu.memory_space<hbm>>)
        tpu.yield
      }) : () -> ()
      "tpu.region"() ({
        %run_scoped3A = tpu.sem_alloc : memref<!tpu.dma_semaphore, #tpu.memory_space<semaphore_mem>>
        %dma_start3A_124 = arith.constant 0 : i32
        %dma_start3A_125 = tpu.memref_slice %arg7[%multiple_of3A_123, %dma_start3A_124] : memref<320000x128xf32, #tpu.memory_space<hbm>> -> memref<80x128xf32, #tpu.memory_space<hbm>>
        %dma_start3A_126 = arith.constant 0 : i32
        %dma_start3A_127 = arith.constant 64 : i32
        %dma_start3A_128 = tpu.memref_slice %dma_start3A_125[%dma_start3A_126, %dma_start3A_127] : memref<80x128xf32, #tpu.memory_space<hbm>> -> memref<80x64xf32, #tpu.memory_space<hbm>>
        %dma_start3A_129 = arith.constant 0 : i32
        %dma_start3A_130 = tpu.memref_slice %arg7[%multiple_of3A_123, %dma_start3A_129] : memref<320000x128xf32, #tpu.memory_space<hbm>> -> memref<80x128xf32, #tpu.memory_space<hbm>>
        %dma_start3A_131 = arith.constant 0 : i32
        %dma_start3A_132 = arith.constant 64 : i32
        %dma_start3A_133 = tpu.memref_slice %dma_start3A_130[%dma_start3A_131, %dma_start3A_132] : memref<80x128xf32, #tpu.memory_space<hbm>> -> memref<80x64xf32, #tpu.memory_space<hbm>>
        tpu.enqueue_dma source(%arg16 : memref<80x64xf32, #tpu.memory_space<vmem>>) target(%dma_start3A_133 : memref<80x64xf32, #tpu.memory_space<hbm>>) target_semaphore(%run_scoped3A : memref<!tpu.dma_semaphore, #tpu.memory_space<semaphore_mem>>)
        %dma_wait3A_134 = arith.constant 0 : i32
        %dma_wait3A_135 = tpu.memref_slice %arg7[%multiple_of3A_123, %dma_wait3A_134] : memref<320000x128xf32, #tpu.memory_space<hbm>> -> memref<80x128xf32, #tpu.memory_space<hbm>>
        %dma_wait3A_136 = arith.constant 0 : i32
        %dma_wait3A_137 = arith.constant 64 : i32
        %dma_wait3A_138 = tpu.memref_slice %dma_wait3A_135[%dma_wait3A_136, %dma_wait3A_137] : memref<80x128xf32, #tpu.memory_space<hbm>> -> memref<80x64xf32, #tpu.memory_space<hbm>>
        %dma_wait3A_139 = arith.constant 0 : i32
        %dma_wait3A_140 = tpu.memref_slice %arg7[%multiple_of3A_123, %dma_wait3A_139] : memref<320000x128xf32, #tpu.memory_space<hbm>> -> memref<80x128xf32, #tpu.memory_space<hbm>>
        %dma_wait3A_141 = arith.constant 0 : i32
        %dma_wait3A_142 = arith.constant 64 : i32
        %dma_wait3A_143 = tpu.memref_slice %dma_wait3A_140[%dma_wait3A_141, %dma_wait3A_142] : memref<80x128xf32, #tpu.memory_space<hbm>> -> memref<80x64xf32, #tpu.memory_space<hbm>>
        tpu.wait_dma2 semaphore(%run_scoped3A : memref<!tpu.dma_semaphore, #tpu.memory_space<semaphore_mem>>) src(%arg16 : memref<80x64xf32, #tpu.memory_space<vmem>>) dst(%dma_wait3A_143 : memref<80x64xf32, #tpu.memory_space<hbm>>)
        tpu.yield
      }) : () -> ()
    }
    %scan3A_20 = arith.constant 62 : i32
    %dma_wait3A = arith.constant 0 : i32
    %dma_wait3A_21 = arith.constant 0 : i32
    %dma_wait3A_22 = tpu.memref_slice %arg2[%dma_wait3A, %dma_wait3A_21] : memref<10000x32xf32, #tpu.memory_space<hbm>> -> memref<80x32xf32, #tpu.memory_space<hbm>>
    %dma_wait3A_23 = arith.constant 0 : i32
    %dma_wait3A_24 = arith.constant 0 : i32
    %dma_wait3A_25 = tpu.memref_slice %arg2[%dma_wait3A_23, %dma_wait3A_24] : memref<10000x32xf32, #tpu.memory_space<hbm>> -> memref<80x32xf32, #tpu.memory_space<hbm>>
    tpu.wait_dma2 semaphore(%arg17 : memref<!tpu.dma_semaphore, #tpu.memory_space<semaphore_mem>>) src(%dma_wait3A_25 : memref<80x32xf32, #tpu.memory_space<hbm>>) dst(%arg11 : memref<80x32xf32, #tpu.memory_space<vmem>>)
    %dma_wait3A_26 = arith.constant 0 : i32
    %dma_wait3A_27 = arith.constant 0 : i32
    %dma_wait3A_28 = tpu.memref_slice %arg2[%dma_wait3A_26, %dma_wait3A_27] : memref<10000x32xf32, #tpu.memory_space<hbm>> -> memref<80x32xf32, #tpu.memory_space<hbm>>
    %dma_wait3A_29 = arith.constant 0 : i32
    %dma_wait3A_30 = arith.constant 0 : i32
    %dma_wait3A_31 = tpu.memref_slice %arg2[%dma_wait3A_29, %dma_wait3A_30] : memref<10000x32xf32, #tpu.memory_space<hbm>> -> memref<80x32xf32, #tpu.memory_space<hbm>>
    tpu.wait_dma2 semaphore(%arg18 : memref<!tpu.dma_semaphore, #tpu.memory_space<semaphore_mem>>) src(%dma_wait3A_31 : memref<80x32xf32, #tpu.memory_space<hbm>>) dst(%arg12 : memref<80x32xf32, #tpu.memory_space<vmem>>)
    %dma_wait3A_32 = arith.constant 0 : i32
    %dma_wait3A_33 = arith.constant 0 : i32
    %dma_wait3A_34 = tpu.memref_slice %arg7[%dma_wait3A_32, %dma_wait3A_33] : memref<320000x128xf32, #tpu.memory_space<hbm>> -> memref<80x64xf32, #tpu.memory_space<hbm>>
    %dma_wait3A_35 = arith.constant 0 : i32
    %dma_wait3A_36 = arith.constant 0 : i32
    %dma_wait3A_37 = tpu.memref_slice %arg7[%dma_wait3A_35, %dma_wait3A_36] : memref<320000x128xf32, #tpu.memory_space<hbm>> -> memref<80x64xf32, #tpu.memory_space<hbm>>
    tpu.wait_dma2 semaphore(%arg19 : memref<!tpu.dma_semaphore, #tpu.memory_space<semaphore_mem>>) src(%dma_wait3A_37 : memref<80x64xf32, #tpu.memory_space<hbm>>) dst(%arg13 : memref<80x64xf32, #tpu.memory_space<vmem>>)
    %add3A_38 = arith.constant 9920 : i32
    %add3A_39 = arith.addi %multiple_of3A, %add3A_38 : i32
    %multiple_of3A_40 = tpu.assume_multiple %add3A_39, 8 : i32
    "tpu.region"() ({
      %run_scoped3A = tpu.sem_alloc : memref<!tpu.dma_semaphore, #tpu.memory_space<semaphore_mem>>
      %dma_start3A_41 = arith.constant 0 : i32
      %dma_start3A_42 = tpu.memref_slice %arg7[%multiple_of3A_40, %dma_start3A_41] : memref<320000x128xf32, #tpu.memory_space<hbm>> -> memref<80x128xf32, #tpu.memory_space<hbm>>
      %dma_start3A_43 = arith.constant 0 : i32
      %dma_start3A_44 = arith.constant 0 : i32
      %dma_start3A_45 = tpu.memref_slice %dma_start3A_42[%dma_start3A_43, %dma_start3A_44] : memref<80x128xf32, #tpu.memory_space<hbm>> -> memref<80x32xf32, #tpu.memory_space<hbm>>
      %dma_start3A_46 = arith.constant 0 : i32
      %dma_start3A_47 = tpu.memref_slice %arg7[%multiple_of3A_40, %dma_start3A_46] : memref<320000x128xf32, #tpu.memory_space<hbm>> -> memref<80x128xf32, #tpu.memory_space<hbm>>
      %dma_start3A_48 = arith.constant 0 : i32
      %dma_start3A_49 = arith.constant 0 : i32
      %dma_start3A_50 = tpu.memref_slice %dma_start3A_47[%dma_start3A_48, %dma_start3A_49] : memref<80x128xf32, #tpu.memory_space<hbm>> -> memref<80x32xf32, #tpu.memory_space<hbm>>
      tpu.enqueue_dma source(%arg11 : memref<80x32xf32, #tpu.memory_space<vmem>>) target(%dma_start3A_50 : memref<80x32xf32, #tpu.memory_space<hbm>>) target_semaphore(%run_scoped3A : memref<!tpu.dma_semaphore, #tpu.memory_space<semaphore_mem>>)
      %dma_wait3A_51 = arith.constant 0 : i32
      %dma_wait3A_52 = tpu.memref_slice %arg7[%multiple_of3A_40, %dma_wait3A_51] : memref<320000x128xf32, #tpu.memory_space<hbm>> -> memref<80x128xf32, #tpu.memory_space<hbm>>
      %dma_wait3A_53 = arith.constant 0 : i32
      %dma_wait3A_54 = arith.constant 0 : i32
      %dma_wait3A_55 = tpu.memref_slice %dma_wait3A_52[%dma_wait3A_53, %dma_wait3A_54] : memref<80x128xf32, #tpu.memory_space<hbm>> -> memref<80x32xf32, #tpu.memory_space<hbm>>
      %dma_wait3A_56 = arith.constant 0 : i32
      %dma_wait3A_57 = tpu.memref_slice %arg7[%multiple_of3A_40, %dma_wait3A_56] : memref<320000x128xf32, #tpu.memory_space<hbm>> -> memref<80x128xf32, #tpu.memory_space<hbm>>
      %dma_wait3A_58 = arith.constant 0 : i32
      %dma_wait3A_59 = arith.constant 0 : i32
      %dma_wait3A_60 = tpu.memref_slice %dma_wait3A_57[%dma_wait3A_58, %dma_wait3A_59] : memref<80x128xf32, #tpu.memory_space<hbm>> -> memref<80x32xf32, #tpu.memory_space<hbm>>
      tpu.wait_dma2 semaphore(%run_scoped3A : memref<!tpu.dma_semaphore, #tpu.memory_space<semaphore_mem>>) src(%arg11 : memref<80x32xf32, #tpu.memory_space<vmem>>) dst(%dma_wait3A_60 : memref<80x32xf32, #tpu.memory_space<hbm>>)
      tpu.yield
    }) : () -> ()
    "tpu.region"() ({
      %run_scoped3A = tpu.sem_alloc : memref<!tpu.dma_semaphore, #tpu.memory_space<semaphore_mem>>
      %dma_start3A_41 = arith.constant 0 : i32
      %dma_start3A_42 = tpu.memref_slice %arg7[%multiple_of3A_40, %dma_start3A_41] : memref<320000x128xf32, #tpu.memory_space<hbm>> -> memref<80x128xf32, #tpu.memory_space<hbm>>
      %dma_start3A_43 = arith.constant 0 : i32
      %dma_start3A_44 = arith.constant 32 : i32
      %dma_start3A_45 = tpu.memref_slice %dma_start3A_42[%dma_start3A_43, %dma_start3A_44] : memref<80x128xf32, #tpu.memory_space<hbm>> -> memref<80x32xf32, #tpu.memory_space<hbm>>
      %dma_start3A_46 = arith.constant 0 : i32
      %dma_start3A_47 = tpu.memref_slice %arg7[%multiple_of3A_40, %dma_start3A_46] : memref<320000x128xf32, #tpu.memory_space<hbm>> -> memref<80x128xf32, #tpu.memory_space<hbm>>
      %dma_start3A_48 = arith.constant 0 : i32
      %dma_start3A_49 = arith.constant 32 : i32
      %dma_start3A_50 = tpu.memref_slice %dma_start3A_47[%dma_start3A_48, %dma_start3A_49] : memref<80x128xf32, #tpu.memory_space<hbm>> -> memref<80x32xf32, #tpu.memory_space<hbm>>
      tpu.enqueue_dma source(%arg12 : memref<80x32xf32, #tpu.memory_space<vmem>>) target(%dma_start3A_50 : memref<80x32xf32, #tpu.memory_space<hbm>>) target_semaphore(%run_scoped3A : memref<!tpu.dma_semaphore, #tpu.memory_space<semaphore_mem>>)
      %dma_wait3A_51 = arith.constant 0 : i32
      %dma_wait3A_52 = tpu.memref_slice %arg7[%multiple_of3A_40, %dma_wait3A_51] : memref<320000x128xf32, #tpu.memory_space<hbm>> -> memref<80x128xf32, #tpu.memory_space<hbm>>
      %dma_wait3A_53 = arith.constant 0 : i32
      %dma_wait3A_54 = arith.constant 32 : i32
      %dma_wait3A_55 = tpu.memref_slice %dma_wait3A_52[%dma_wait3A_53, %dma_wait3A_54] : memref<80x128xf32, #tpu.memory_space<hbm>> -> memref<80x32xf32, #tpu.memory_space<hbm>>
      %dma_wait3A_56 = arith.constant 0 : i32
      %dma_wait3A_57 = tpu.memref_slice %arg7[%multiple_of3A_40, %dma_wait3A_56] : memref<320000x128xf32, #tpu.memory_space<hbm>> -> memref<80x128xf32, #tpu.memory_space<hbm>>
      %dma_wait3A_58 = arith.constant 0 : i32
      %dma_wait3A_59 = arith.constant 32 : i32
      %dma_wait3A_60 = tpu.memref_slice %dma_wait3A_57[%dma_wait3A_58, %dma_wait3A_59] : memref<80x128xf32, #tpu.memory_space<hbm>> -> memref<80x32xf32, #tpu.memory_space<hbm>>
      tpu.wait_dma2 semaphore(%run_scoped3A : memref<!tpu.dma_semaphore, #tpu.memory_space<semaphore_mem>>) src(%arg12 : memref<80x32xf32, #tpu.memory_space<vmem>>) dst(%dma_wait3A_60 : memref<80x32xf32, #tpu.memory_space<hbm>>)
      tpu.yield
    }) : () -> ()
    "tpu.region"() ({
      %run_scoped3A = tpu.sem_alloc : memref<!tpu.dma_semaphore, #tpu.memory_space<semaphore_mem>>
      %dma_start3A_41 = arith.constant 0 : i32
      %dma_start3A_42 = tpu.memref_slice %arg7[%multiple_of3A_40, %dma_start3A_41] : memref<320000x128xf32, #tpu.memory_space<hbm>> -> memref<80x128xf32, #tpu.memory_space<hbm>>
      %dma_start3A_43 = arith.constant 0 : i32
      %dma_start3A_44 = arith.constant 64 : i32
      %dma_start3A_45 = tpu.memref_slice %dma_start3A_42[%dma_start3A_43, %dma_start3A_44] : memref<80x128xf32, #tpu.memory_space<hbm>> -> memref<80x64xf32, #tpu.memory_space<hbm>>
      %dma_start3A_46 = arith.constant 0 : i32
      %dma_start3A_47 = tpu.memref_slice %arg7[%multiple_of3A_40, %dma_start3A_46] : memref<320000x128xf32, #tpu.memory_space<hbm>> -> memref<80x128xf32, #tpu.memory_space<hbm>>
      %dma_start3A_48 = arith.constant 0 : i32
      %dma_start3A_49 = arith.constant 64 : i32
      %dma_start3A_50 = tpu.memref_slice %dma_start3A_47[%dma_start3A_48, %dma_start3A_49] : memref<80x128xf32, #tpu.memory_space<hbm>> -> memref<80x64xf32, #tpu.memory_space<hbm>>
      tpu.enqueue_dma source(%arg13 : memref<80x64xf32, #tpu.memory_space<vmem>>) target(%dma_start3A_50 : memref<80x64xf32, #tpu.memory_space<hbm>>) target_semaphore(%run_scoped3A : memref<!tpu.dma_semaphore, #tpu.memory_space<semaphore_mem>>)
      %dma_wait3A_51 = arith.constant 0 : i32
      %dma_wait3A_52 = tpu.memref_slice %arg7[%multiple_of3A_40, %dma_wait3A_51] : memref<320000x128xf32, #tpu.memory_space<hbm>> -> memref<80x128xf32, #tpu.memory_space<hbm>>
      %dma_wait3A_53 = arith.constant 0 : i32
      %dma_wait3A_54 = arith.constant 64 : i32
      %dma_wait3A_55 = tpu.memref_slice %dma_wait3A_52[%dma_wait3A_53, %dma_wait3A_54] : memref<80x128xf32, #tpu.memory_space<hbm>> -> memref<80x64xf32, #tpu.memory_space<hbm>>
      %dma_wait3A_56 = arith.constant 0 : i32
      %dma_wait3A_57 = tpu.memref_slice %arg7[%multiple_of3A_40, %dma_wait3A_56] : memref<320000x128xf32, #tpu.memory_space<hbm>> -> memref<80x128xf32, #tpu.memory_space<hbm>>
      %dma_wait3A_58 = arith.constant 0 : i32
      %dma_wait3A_59 = arith.constant 64 : i32
      %dma_wait3A_60 = tpu.memref_slice %dma_wait3A_57[%dma_wait3A_58, %dma_wait3A_59] : memref<80x128xf32, #tpu.memory_space<hbm>> -> memref<80x64xf32, #tpu.memory_space<hbm>>
      tpu.wait_dma2 semaphore(%run_scoped3A : memref<!tpu.dma_semaphore, #tpu.memory_space<semaphore_mem>>) src(%arg13 : memref<80x64xf32, #tpu.memory_space<vmem>>) dst(%dma_wait3A_60 : memref<80x64xf32, #tpu.memory_space<hbm>>)
      tpu.yield
    }) : () -> ()
    return
  }
}

module attributes {stable_mosaic.version = 14 : i64} {
  func.func @_node_emb_body(%arg0: i32, %arg1: memref<1000x1xi32, #tpu.memory_space<vmem>>, %arg2: memref<1000x1xi32, #tpu.memory_space<vmem>>, %arg3: memref<1000x1xi32, #tpu.memory_space<vmem>>, %arg4: memref<1000x1xi32, #tpu.memory_space<vmem>>, %arg5: memref<128x32xf32, #tpu.memory_space<vmem>>, %arg6: memref<128x32xf32, #tpu.memory_space<vmem>>, %arg7: memref<128x32xf32, #tpu.memory_space<vmem>>, %arg8: memref<128x32xf32, #tpu.memory_space<vmem>>, %arg9: memref<1x32xf32, #tpu.memory_space<vmem>>, %arg10: memref<1000x32xf32, #tpu.memory_space<vmem>>) attributes {dimension_semantics = [#tpu.dimension_semantics<arbitrary>], iteration_bounds = array<i64: 10>, scalar_prefetch = 0 : i64, scratch_operands = 0 : i64, tpu.core_type = #tpu.core_type<tc>, window_params = [{transform_indices = @transform_0, window_bounds = array<i64: 1000, 1>}, {transform_indices = @transform_1, window_bounds = array<i64: 1000, 1>}, {transform_indices = @transform_2, window_bounds = array<i64: 1000, 1>}, {transform_indices = @transform_3, window_bounds = array<i64: 1000, 1>}, {pipeline_mode = #tpu.pipeline_mode<synchronous>, transform_indices = @transform_4, window_bounds = array<i64: 128, 32>}, {pipeline_mode = #tpu.pipeline_mode<synchronous>, transform_indices = @transform_5, window_bounds = array<i64: 128, 32>}, {pipeline_mode = #tpu.pipeline_mode<synchronous>, transform_indices = @transform_6, window_bounds = array<i64: 128, 32>}, {pipeline_mode = #tpu.pipeline_mode<synchronous>, transform_indices = @transform_7, window_bounds = array<i64: 128, 32>}, {pipeline_mode = #tpu.pipeline_mode<synchronous>, transform_indices = @transform_8, window_bounds = array<i64: 1, 32>}, {transform_indices = @transform_9, window_bounds = array<i64: 1000, 32>}]} {
    %iota3A = tpu.iota {dimensions = array<i32: 1>} : vector<1000x128xi32>
    %get3A = arith.constant 0 : index
    %get3A_0 = arith.constant 0 : index
    %get3A_1 = vector.load %arg1[%get3A, %get3A_0] : memref<1000x1xi32, #tpu.memory_space<vmem>>, vector<1000x1xi32>
    %eq3A = vector.broadcast %get3A_1 : vector<1000x1xi32> to vector<1000x128xi32>
    %eq3A_2 = arith.cmpi eq, %eq3A, %iota3A : vector<1000x128xi32>
    %convert_element_type3A = arith.extui %eq3A_2 : vector<1000x128xi1> to vector<1000x128xi32>
    %convert_element_type3A_3 = arith.sitofp %convert_element_type3A : vector<1000x128xi32> to vector<1000x128xf32>
    %get3A_4 = arith.constant 0 : index
    %get3A_5 = arith.constant 0 : index
    %get3A_6 = vector.load %arg5[%get3A_4, %get3A_5] : memref<128x32xf32, #tpu.memory_space<vmem>>, vector<128x32xf32>
    %dot_general3A = arith.constant dense<0.000000e+00> : vector<1000x32xf32>
    %dot_general3A_7 = tpu.matmul %convert_element_type3A_3, %get3A_6, %dot_general3A {dimension_numbers = #tpu.dot_dimension_numbers<[1], [0], [0], [1], [0, 0, 1, 1], [], []>, transpose_lhs_hint = false} : vector<1000x128xf32>, vector<128x32xf32>, vector<1000x32xf32> -> vector<1000x32xf32>
    %get3A_8 = arith.constant 0 : index
    %get3A_9 = arith.constant 0 : index
    %get3A_10 = vector.load %arg2[%get3A_8, %get3A_9] : memref<1000x1xi32, #tpu.memory_space<vmem>>, vector<1000x1xi32>
    %eq3A_11 = vector.broadcast %get3A_10 : vector<1000x1xi32> to vector<1000x128xi32>
    %eq3A_12 = arith.cmpi eq, %eq3A_11, %iota3A : vector<1000x128xi32>
    %convert_element_type3A_13 = arith.extui %eq3A_12 : vector<1000x128xi1> to vector<1000x128xi32>
    %convert_element_type3A_14 = arith.sitofp %convert_element_type3A_13 : vector<1000x128xi32> to vector<1000x128xf32>
    %get3A_15 = arith.constant 0 : index
    %get3A_16 = arith.constant 0 : index
    %get3A_17 = vector.load %arg6[%get3A_15, %get3A_16] : memref<128x32xf32, #tpu.memory_space<vmem>>, vector<128x32xf32>
    %dot_general3A_18 = arith.constant dense<0.000000e+00> : vector<1000x32xf32>
    %dot_general3A_19 = tpu.matmul %convert_element_type3A_14, %get3A_17, %dot_general3A_18 {dimension_numbers = #tpu.dot_dimension_numbers<[1], [0], [0], [1], [0, 0, 1, 1], [], []>, transpose_lhs_hint = false} : vector<1000x128xf32>, vector<128x32xf32>, vector<1000x32xf32> -> vector<1000x32xf32>
    %add3A = arith.addf %dot_general3A_7, %dot_general3A_19 : vector<1000x32xf32>
    %get3A_20 = arith.constant 0 : index
    %get3A_21 = arith.constant 0 : index
    %get3A_22 = vector.load %arg3[%get3A_20, %get3A_21] : memref<1000x1xi32, #tpu.memory_space<vmem>>, vector<1000x1xi32>
    %eq3A_23 = vector.broadcast %get3A_22 : vector<1000x1xi32> to vector<1000x128xi32>
    %eq3A_24 = arith.cmpi eq, %eq3A_23, %iota3A : vector<1000x128xi32>
    %convert_element_type3A_25 = arith.extui %eq3A_24 : vector<1000x128xi1> to vector<1000x128xi32>
    %convert_element_type3A_26 = arith.sitofp %convert_element_type3A_25 : vector<1000x128xi32> to vector<1000x128xf32>
    %get3A_27 = arith.constant 0 : index
    %get3A_28 = arith.constant 0 : index
    %get3A_29 = vector.load %arg7[%get3A_27, %get3A_28] : memref<128x32xf32, #tpu.memory_space<vmem>>, vector<128x32xf32>
    %dot_general3A_30 = arith.constant dense<0.000000e+00> : vector<1000x32xf32>
    %dot_general3A_31 = tpu.matmul %convert_element_type3A_26, %get3A_29, %dot_general3A_30 {dimension_numbers = #tpu.dot_dimension_numbers<[1], [0], [0], [1], [0, 0, 1, 1], [], []>, transpose_lhs_hint = false} : vector<1000x128xf32>, vector<128x32xf32>, vector<1000x32xf32> -> vector<1000x32xf32>
    %add3A_32 = arith.addf %add3A, %dot_general3A_31 : vector<1000x32xf32>
    %get3A_33 = arith.constant 0 : index
    %get3A_34 = arith.constant 0 : index
    %get3A_35 = vector.load %arg4[%get3A_33, %get3A_34] : memref<1000x1xi32, #tpu.memory_space<vmem>>, vector<1000x1xi32>
    %eq3A_36 = vector.broadcast %get3A_35 : vector<1000x1xi32> to vector<1000x128xi32>
    %eq3A_37 = arith.cmpi eq, %eq3A_36, %iota3A : vector<1000x128xi32>
    %convert_element_type3A_38 = arith.extui %eq3A_37 : vector<1000x128xi1> to vector<1000x128xi32>
    %convert_element_type3A_39 = arith.sitofp %convert_element_type3A_38 : vector<1000x128xi32> to vector<1000x128xf32>
    %get3A_40 = arith.constant 0 : index
    %get3A_41 = arith.constant 0 : index
    %get3A_42 = vector.load %arg8[%get3A_40, %get3A_41] : memref<128x32xf32, #tpu.memory_space<vmem>>, vector<128x32xf32>
    %dot_general3A_43 = arith.constant dense<0.000000e+00> : vector<1000x32xf32>
    %dot_general3A_44 = tpu.matmul %convert_element_type3A_39, %get3A_42, %dot_general3A_43 {dimension_numbers = #tpu.dot_dimension_numbers<[1], [0], [0], [1], [0, 0, 1, 1], [], []>, transpose_lhs_hint = false} : vector<1000x128xf32>, vector<128x32xf32>, vector<1000x32xf32> -> vector<1000x32xf32>
    %add3A_45 = arith.addf %add3A_32, %dot_general3A_44 : vector<1000x32xf32>
    %get3A_46 = arith.constant 0 : index
    %get3A_47 = arith.constant 0 : index
    %get3A_48 = vector.load %arg9[%get3A_46, %get3A_47] : memref<1x32xf32, #tpu.memory_space<vmem>>, vector<1x32xf32>
    %add3A_49 = vector.broadcast %get3A_48 : vector<1x32xf32> to vector<1000x32xf32>
    %add3A_50 = arith.addf %add3A_45, %add3A_49 : vector<1000x32xf32>
    %swap3A = arith.constant 0 : index
    %swap3A_51 = arith.constant 0 : index
    %swap3A_52 = vector.load %arg10[%swap3A, %swap3A_51] : memref<1000x32xf32, #tpu.memory_space<vmem>>, vector<1000x32xf32>
    tpu.vector_store %arg10[%swap3A, %swap3A_51], %add3A_50 {strides = array<i32>} : memref<1000x32xf32, #tpu.memory_space<vmem>>, vector<1000x32xf32>,
    return
  }
  func.func @transform_0(%arg0: i32) -> (i32, i32) {
    %c0_i32 = arith.constant 0 : i32
    %c0_i32_0 = arith.constant 0 : i32
    return %arg0, %c0_i32 : i32, i32
  }
  func.func @transform_1(%arg0: i32) -> (i32, i32) {
    %c0_i32 = arith.constant 0 : i32
    %c0_i32_0 = arith.constant 0 : i32
    return %arg0, %c0_i32 : i32, i32
  }
  func.func @transform_2(%arg0: i32) -> (i32, i32) {
    %c0_i32 = arith.constant 0 : i32
    %c0_i32_0 = arith.constant 0 : i32
    return %arg0, %c0_i32 : i32, i32
  }
  func.func @transform_3(%arg0: i32) -> (i32, i32) {
    %c0_i32 = arith.constant 0 : i32
    %c0_i32_0 = arith.constant 0 : i32
    return %arg0, %c0_i32 : i32, i32
  }
  func.func @transform_4(%arg0: i32) -> (i32, i32) {
    %c0_i32 = arith.constant 0 : i32
    %c0_i32_0 = arith.constant 0 : i32
    %c0_i32_1 = arith.constant 0 : i32
    return %c0_i32, %c0_i32_0 : i32, i32
  }
  func.func @transform_5(%arg0: i32) -> (i32, i32) {
    %c0_i32 = arith.constant 0 : i32
    %c0_i32_0 = arith.constant 0 : i32
    %c0_i32_1 = arith.constant 0 : i32
    return %c0_i32, %c0_i32_0 : i32, i32
  }
  func.func @transform_6(%arg0: i32) -> (i32, i32) {
    %c0_i32 = arith.constant 0 : i32
    %c0_i32_0 = arith.constant 0 : i32
    %c0_i32_1 = arith.constant 0 : i32
    return %c0_i32, %c0_i32_0 : i32, i32
  }
  func.func @transform_7(%arg0: i32) -> (i32, i32) {
    %c0_i32 = arith.constant 0 : i32
    %c0_i32_0 = arith.constant 0 : i32
    %c0_i32_1 = arith.constant 0 : i32
    return %c0_i32, %c0_i32_0 : i32, i32
  }
  func.func @transform_8(%arg0: i32) -> (i32, i32) {
    %c0_i32 = arith.constant 0 : i32
    %c0_i32_0 = arith.constant 0 : i32
    %c0_i32_1 = arith.constant 0 : i32
    return %c0_i32, %c0_i32_0 : i32, i32
  }
  func.func @transform_9(%arg0: i32) -> (i32, i32) {
    %c0_i32 = arith.constant 0 : i32
    %c0_i32_0 = arith.constant 0 : i32
    return %arg0, %c0_i32 : i32, i32
  }
}

module attributes {stable_mosaic.version = 14 : i64} {
  func.func @_edge_body(%arg0: i32, %arg1: memref<5000x128xf32, #tpu.memory_space<vmem>>, %arg2: memref<5000x128xf32, #tpu.memory_space<vmem>>, %arg3: memref<128x64xf32, #tpu.memory_space<vmem>>, %arg4: memref<128x64xf32, #tpu.memory_space<vmem>>, %arg5: memref<1x64xf32, #tpu.memory_space<vmem>>, %arg6: memref<1x64xf32, #tpu.memory_space<vmem>>, %arg7: memref<64x64xf32, #tpu.memory_space<vmem>>, %arg8: memref<1x64xf32, #tpu.memory_space<vmem>>, %arg9: memref<5000x64xf32, #tpu.memory_space<vmem>>) attributes {dimension_semantics = [#tpu.dimension_semantics<arbitrary>], iteration_bounds = array<i64: 64>, scalar_prefetch = 0 : i64, scratch_operands = 0 : i64, tpu.core_type = #tpu.core_type<tc>, window_params = [{transform_indices = @transform_0, window_bounds = array<i64: 5000, 128>}, {transform_indices = @transform_1, window_bounds = array<i64: 5000, 128>}, {pipeline_mode = #tpu.pipeline_mode<synchronous>, transform_indices = @transform_2, window_bounds = array<i64: 128, 64>}, {pipeline_mode = #tpu.pipeline_mode<synchronous>, transform_indices = @transform_3, window_bounds = array<i64: 128, 64>}, {pipeline_mode = #tpu.pipeline_mode<synchronous>, transform_indices = @transform_4, window_bounds = array<i64: 1, 64>}, {pipeline_mode = #tpu.pipeline_mode<synchronous>, transform_indices = @transform_5, window_bounds = array<i64: 1, 64>}, {pipeline_mode = #tpu.pipeline_mode<synchronous>, transform_indices = @transform_6, window_bounds = array<i64: 64, 64>}, {pipeline_mode = #tpu.pipeline_mode<synchronous>, transform_indices = @transform_7, window_bounds = array<i64: 1, 64>}, {transform_indices = @transform_8, window_bounds = array<i64: 5000, 64>}]} {
    %get3A = arith.constant 0 : index
    %get3A_0 = arith.constant 0 : index
    %get3A_1 = vector.load %arg1[%get3A, %get3A_0] : memref<5000x128xf32, #tpu.memory_space<vmem>>, vector<5000x128xf32>
    %get3A_2 = arith.constant 0 : index
    %get3A_3 = arith.constant 0 : index
    %get3A_4 = vector.load %arg3[%get3A_2, %get3A_3] : memref<128x64xf32, #tpu.memory_space<vmem>>, vector<128x64xf32>
    %dot_general3A = arith.constant dense<0.000000e+00> : vector<5000x64xf32>
    %dot_general3A_5 = tpu.matmul %get3A_1, %get3A_4, %dot_general3A {dimension_numbers = #tpu.dot_dimension_numbers<[1], [0], [0], [1], [0, 0, 1, 1], [], []>, transpose_lhs_hint = false} : vector<5000x128xf32>, vector<128x64xf32>, vector<5000x64xf32> -> vector<5000x64xf32>
    %get3A_6 = arith.constant 0 : index
    %get3A_7 = arith.constant 0 : index
    %get3A_8 = vector.load %arg2[%get3A_6, %get3A_7] : memref<5000x128xf32, #tpu.memory_space<vmem>>, vector<5000x128xf32>
    %get3A_9 = arith.constant 0 : index
    %get3A_10 = arith.constant 0 : index
    %get3A_11 = vector.load %arg4[%get3A_9, %get3A_10] : memref<128x64xf32, #tpu.memory_space<vmem>>, vector<128x64xf32>
    %dot_general3A_12 = arith.constant dense<0.000000e+00> : vector<5000x64xf32>
    %dot_general3A_13 = tpu.matmul %get3A_8, %get3A_11, %dot_general3A_12 {dimension_numbers = #tpu.dot_dimension_numbers<[1], [0], [0], [1], [0, 0, 1, 1], [], []>, transpose_lhs_hint = false} : vector<5000x128xf32>, vector<128x64xf32>, vector<5000x64xf32> -> vector<5000x64xf32>
    %add3A = arith.addf %dot_general3A_5, %dot_general3A_13 : vector<5000x64xf32>
    %reduce_sum3A = arith.constant dense<0.000000e+00> : vector<5000xf32>
    %reduce_sum3A_14 = vector.multi_reduction <add>, %add3A, %reduce_sum3A [1] : vector<5000x64xf32> to vector<5000xf32>
    %broadcast_in_dim3A = vector.shape_cast %reduce_sum3A_14 : vector<5000xf32> to vector<5000x1xf32>
    %div3A = arith.constant 6.400000e+01 : f32
    %div3A_15 = vector.broadcast %div3A : f32 to vector<5000x1xf32>
    %div3A_16 = arith.divf %broadcast_in_dim3A, %div3A_15 : vector<5000x1xf32>
    %sub3A = vector.broadcast %div3A_16 : vector<5000x1xf32> to vector<5000x64xf32>
    %sub3A_17 = arith.subf %add3A, %sub3A : vector<5000x64xf32>
    %sub3A_18 = vector.broadcast %div3A_16 : vector<5000x1xf32> to vector<5000x64xf32>
    %sub3A_19 = arith.subf %add3A, %sub3A_18 : vector<5000x64xf32>
    %mul3A = arith.mulf %sub3A_17, %sub3A_19 : vector<5000x64xf32>
    %reduce_sum3A_20 = arith.constant dense<0.000000e+00> : vector<5000xf32>
    %reduce_sum3A_21 = vector.multi_reduction <add>, %mul3A, %reduce_sum3A_20 [1] : vector<5000x64xf32> to vector<5000xf32>
    %broadcast_in_dim3A_22 = vector.shape_cast %reduce_sum3A_21 : vector<5000xf32> to vector<5000x1xf32>
    %div3A_23 = arith.constant 6.400000e+01 : f32
    %div3A_24 = vector.broadcast %div3A_23 : f32 to vector<5000x1xf32>
    %div3A_25 = arith.divf %broadcast_in_dim3A_22, %div3A_24 : vector<5000x1xf32>
    %sub3A_26 = vector.broadcast %div3A_16 : vector<5000x1xf32> to vector<5000x64xf32>
    %sub3A_27 = arith.subf %add3A, %sub3A_26 : vector<5000x64xf32>
    %add3A_28 = arith.constant 9.99999974E-6 : f32
    %add3A_29 = vector.broadcast %add3A_28 : f32 to vector<5000x1xf32>
    %add3A_30 = arith.addf %div3A_25, %add3A_29 : vector<5000x1xf32>
    %rsqrt3A = math.rsqrt %add3A_30 : vector<5000x1xf32>
    %mul3A_31 = vector.broadcast %rsqrt3A : vector<5000x1xf32> to vector<5000x64xf32>
    %mul3A_32 = arith.mulf %sub3A_27, %mul3A_31 : vector<5000x64xf32>
    %get3A_33 = arith.constant 0 : index
    %get3A_34 = arith.constant 0 : index
    %get3A_35 = vector.load %arg5[%get3A_33, %get3A_34] : memref<1x64xf32, #tpu.memory_space<vmem>>, vector<1x64xf32>
    %mul3A_36 = vector.broadcast %get3A_35 : vector<1x64xf32> to vector<5000x64xf32>
    %mul3A_37 = arith.mulf %mul3A_32, %mul3A_36 : vector<5000x64xf32>
    %get3A_38 = arith.constant 0 : index
    %get3A_39 = arith.constant 0 : index
    %get3A_40 = vector.load %arg6[%get3A_38, %get3A_39] : memref<1x64xf32, #tpu.memory_space<vmem>>, vector<1x64xf32>
    %add3A_41 = vector.broadcast %get3A_40 : vector<1x64xf32> to vector<5000x64xf32>
    %add3A_42 = arith.addf %mul3A_37, %add3A_41 : vector<5000x64xf32>
    %logistic3A = arith.negf %add3A_42 : vector<5000x64xf32>
    %logistic3A_43 = math.exp %logistic3A : vector<5000x64xf32>
    %logistic3A_44 = arith.constant 1.000000e+00 : f32
    %logistic3A_45 = vector.broadcast %logistic3A_44 : f32 to vector<5000x64xf32>
    %logistic3A_46 = arith.addf %logistic3A_45, %logistic3A_43 : vector<5000x64xf32>
    %logistic3A_47 = arith.divf %logistic3A_45, %logistic3A_46 : vector<5000x64xf32>
    %mul3A_48 = arith.mulf %add3A_42, %logistic3A_47 : vector<5000x64xf32>
    %get3A_49 = arith.constant 0 : index
    %get3A_50 = arith.constant 0 : index
    %get3A_51 = vector.load %arg7[%get3A_49, %get3A_50] : memref<64x64xf32, #tpu.memory_space<vmem>>, vector<64x64xf32>
    %dot_general3A_52 = arith.constant dense<0.000000e+00> : vector<5000x64xf32>
    %dot_general3A_53 = tpu.matmul %mul3A_48, %get3A_51, %dot_general3A_52 {dimension_numbers = #tpu.dot_dimension_numbers<[1], [0], [0], [1], [0, 0, 1, 1], [], []>, transpose_lhs_hint = false} : vector<5000x64xf32>, vector<64x64xf32>, vector<5000x64xf32> -> vector<5000x64xf32>
    %get3A_54 = arith.constant 0 : index
    %get3A_55 = arith.constant 0 : index
    %get3A_56 = vector.load %arg8[%get3A_54, %get3A_55] : memref<1x64xf32, #tpu.memory_space<vmem>>, vector<1x64xf32>
    %add3A_57 = vector.broadcast %get3A_56 : vector<1x64xf32> to vector<5000x64xf32>
    %add3A_58 = arith.addf %dot_general3A_53, %add3A_57 : vector<5000x64xf32>
    %swap3A = arith.constant 0 : index
    %swap3A_59 = arith.constant 0 : index
    %swap3A_60 = vector.load %arg9[%swap3A, %swap3A_59] : memref<5000x64xf32, #tpu.memory_space<vmem>>, vector<5000x64xf32>
    tpu.vector_store %arg9[%swap3A, %swap3A_59], %add3A_58 {strides = array<i32>} : memref<5000x64xf32, #tpu.memory_space<vmem>>, vector<5000x64xf32>,
    return
  }
  func.func @transform_0(%arg0: i32) -> (i32, i32) {
    %c0_i32 = arith.constant 0 : i32
    %c0_i32_0 = arith.constant 0 : i32
    return %arg0, %c0_i32 : i32, i32
  }
  func.func @transform_1(%arg0: i32) -> (i32, i32) {
    %c0_i32 = arith.constant 0 : i32
    %c0_i32_0 = arith.constant 0 : i32
    return %arg0, %c0_i32 : i32, i32
  }
  func.func @transform_2(%arg0: i32) -> (i32, i32) {
    %c0_i32 = arith.constant 0 : i32
    %c0_i32_0 = arith.constant 0 : i32
    %c0_i32_1 = arith.constant 0 : i32
    return %c0_i32, %c0_i32_0 : i32, i32
  }
  func.func @transform_3(%arg0: i32) -> (i32, i32) {
    %c0_i32 = arith.constant 0 : i32
    %c0_i32_0 = arith.constant 0 : i32
    %c0_i32_1 = arith.constant 0 : i32
    return %c0_i32, %c0_i32_0 : i32, i32
  }
  func.func @transform_4(%arg0: i32) -> (i32, i32) {
    %c0_i32 = arith.constant 0 : i32
    %c0_i32_0 = arith.constant 0 : i32
    %c0_i32_1 = arith.constant 0 : i32
    return %c0_i32, %c0_i32_0 : i32, i32
  }
  func.func @transform_5(%arg0: i32) -> (i32, i32) {
    %c0_i32 = arith.constant 0 : i32
    %c0_i32_0 = arith.constant 0 : i32
    %c0_i32_1 = arith.constant 0 : i32
    return %c0_i32, %c0_i32_0 : i32, i32
  }
  func.func @transform_6(%arg0: i32) -> (i32, i32) {
    %c0_i32 = arith.constant 0 : i32
    %c0_i32_0 = arith.constant 0 : i32
    %c0_i32_1 = arith.constant 0 : i32
    return %c0_i32, %c0_i32_0 : i32, i32
  }
  func.func @transform_7(%arg0: i32) -> (i32, i32) {
    %c0_i32 = arith.constant 0 : i32
    %c0_i32_0 = arith.constant 0 : i32
    %c0_i32_1 = arith.constant 0 : i32
    return %c0_i32, %c0_i32_0 : i32, i32
  }
  func.func @transform_8(%arg0: i32) -> (i32, i32) {
    %c0_i32 = arith.constant 0 : i32
    %c0_i32_0 = arith.constant 0 : i32
    return %arg0, %c0_i32 : i32, i32
  }
}

</mosaic_0001>

<sc_bundles>
// kernel: kernel.5.cloned.1.call-start
scs
__scs_entry_jumppad:
0x0: {  	(pc) =	sbr.rel $0x88, $3  }
0x1: {  	(tag) =	ssettag $0x0;
	lr =	simm.s32 $0x1  }
0x2: {  	[smem:$0x3F87] =	sst lr;
	_ =	strace $0xD0000000  }
0x3: {  	_ = 	snop  }
0x4: {  	_ = 	snop  }
0x5: {  	_ = 	snop  }
0x6: {  	_ = 	snop  }
0x7: {  	_ = 	snop  }
__scs_overlays_trampoline_lowered:
0x8: {  	[smem:$0x3F96] =	sst s0  }
0x9: {  	[smem:$0x3F97] =	sst s1  }
0xa: {  	[smem:$0x3F98] =	sst s2  }
0xb: {  	[smem:$0x3F99] =	sst s3  }
0xc: {  	[smem:$0x3F9A] =	sst s4  }
0xd: {  	[smem:$0x3F9B] =	sst s5  }
0xe: {  	[smem:$0x3F9C] =	sst s6  }
0xf: {  	[smem:$0x3F9D] =	sst s7  }
0x10: {  	[smem:$0x3F9E] =	sst s8  }
0x11: {  	[smem:$0x3F9F] =	sst s9;
	s0 =	simm.s32 @!p0 $0x0  }
0x12: {  	s1 =	sld [smem:$0x3F85];
	s0 =	simm.s32 @p0 $0x1  }
0x13: {  	[smem:$0x3FA0] =	sst s0;
	s0 =	simm.s32 @!p1 $0x0  }
0x14: {  	s2 =	sld [smem:$0x3F84];
	s0 =	simm.s32 @p1 $0x1  }
0x15: {  	[smem:$0x3FA1] =	sst s0;
	s0 =	simm.s32 @!p2 $0x0  }
0x16: {  	s3 =	sld [smem:$0x3FDB];
	s0 =	simm.s32 @p2 $0x1  }
0x17: {  	s4 =	simm.s32 $0x1BF5;
	[smem:$0x3FA3] =	sst s0  }
0x18: {  	s0 =	sld [smem:$0x3F86];
	_ =	swait.ge [sflag:s4], $0x0  }
0x19: {  	s7 =	sld [smem:$0x3F87]  }
0x1a: {  	s8 =	sadd.s32 $0xFFFFE003, lr  }
0x1b: {  	s9 =	sadd.s32 $0xFFFFFEF7, lr;
	s5 =	simm.s32 $0xFFFFFFFF;
	p2 =	slt.u32 s8, $0xFFFFF086  }
0x1c: {  	p1 =	slt.u32 s9, $0xF7A;
	s5 =	simm.s32 @!p2 $0x0  }
0x1d: {  	s5 =	simm.s32 @p1 $0x1;
	p0 =	seq.s32 s7, s2  }
0x1e: {  	s7 =	smul.u32 @!p0 $0xF7A, s2;
	p2 =	seq.s32 @!p0 s5, $0x0  }
0x1f: {  	s9 =	smul.u32 $0xF7A, s1;
	s8 =	simm.s32 @!p0 $0x1BF5;
	p2 =	por !p2, p0  }
0x20: {  	[sflag:s8] =	ssyncset.s32 @!p0 $0xFFFFF086;
	s6 =	sadd.s32 @!p0 s3, s7;
	s7 =	simm.s32 @!p0 $0x108  }
0x21: {  	s3 =	sadd.s32 s3, s9;
	s6 =	sadd.s32 @!p0 $0x88, s6;
	s7 =	simm.s32 @p2 $0x1082  }
0x22: {  	[simem:s7], [sflag:s8] =	dma.local @!p0 [hbm:s6], $0xF7A  }
0x23: {  	s9 =	sor.u32 $0xD0000000, s2;
	s6 =	simm.s32 $0x108;
	_ =	swait.ge @!p0 [sflag:s8], $0x0  }
0x24: {  	s3 =	sadd.s32 $0x88, s3;
	s6 =	simm.s32 @!p1 $0x1082;
	[sflag:s4] =	ssyncset.s32 $0xFFFFF086  }
0x25: {  	[simem:s6], [sflag:s4] =	dma.local [hbm:s3], $0xF7A  }
0x26: {  	[smem:$0x3F87] =	sst s1;
	(tag) =	ssettag s2;
	_ =	strace s9  }
0x27: {  	s1 =	sld [smem:$0x3F97]  }
0x28: {  	s2 =	sld [smem:$0x3F98]  }
0x29: {  	s4 =	sld [smem:$0x3F9A]  }
0x2a: {  	p0 =	seq.s32 s5, $0x0;
	s5 =	sld [smem:$0x3F9B]  }
0x2b: {  	s6 =	sld [smem:$0x3F9C]  }
0x2c: {  	s7 =	sld [smem:$0x3F9D]  }
0x2d: {  	s3 =	simm.s32 $0x108;
	s8 =	sld [smem:$0x3F9E]  }
0x2e: {  	s3 =	simm.s32 @!p0 $0x1082;
	s9 =	sld [smem:$0x3F9F]  }
0x2f: {  	lr =	sadd.s32 s0, s3;
	s0 =	sld [smem:$0x3F96]  }
0x30: {  	s3 =	sld [smem:$0x3F99]  }
0x31: {  	[smem:$0x3FA2] =	sst s10  }
0x32: {  	s10 =	sld [smem:$0x3FA0];
	_ =	sdelay $0x3  }
0x33: {  	p0 =	seq.s32 s10, $0x1;
	s10 =	sld [smem:$0x3FA2];
	_ =	sdelay $0x3  }
0x34: {  	[smem:$0x3FA2] =	sst s10  }
0x35: {  	s10 =	sld [smem:$0x3FA1];
	_ =	sdelay $0x3  }
0x36: {  	p1 =	seq.s32 s10, $0x1;
	s10 =	sld [smem:$0x3FA2];
	_ =	sdelay $0x3  }
0x37: {  	[smem:$0x3FA2] =	sst s10  }
0x38: {  	s10 =	sld [smem:$0x3FA3]  }
0x39: {  	_ = 	snop;
	(pc) =	sbr.ind lr, $3  }
0x3a: {  	_ = 	snop  }
0x3b: {  	_ = 	snop  }
0x3c: {  	p2 =	seq.s32 s10, $0x1;
	s10 =	sld [smem:$0x3FA2]  }
0x3d: {  	_ =	shalt  }
0x3e: {  	_ =	shalt  }
0x3f: {  	_ =	shalt  }
0x40: {  	_ =	shalt  }
0x41: {  	_ =	shalt  }
0x42: {  	_ =	shalt  }
0x43: {  	_ =	shalt  }
0x44: {  	_ =	shalt  }
0x45: {  	_ =	shalt  }
0x46: {  	_ =	shalt  }
0x47: {  	_ =	shalt  }
0x48: {  	_ =	shalt  }
0x49: {  	_ =	shalt  }
0x4a: {  	_ =	shalt  }
0x4b: {  	_ =	shalt  }
0x4c: {  	_ =	shalt  }
0x4d: {  	_ =	shalt  }
0x4e: {  	_ =	shalt  }
0x4f: {  	_ =	shalt  }
0x50: {  	_ =	shalt  }
0x51: {  	_ =	shalt  }
0x52: {  	_ =	shalt  }
0x53: {  	_ =	shalt  }
0x54: {  	_ =	shalt  }
0x55: {  	_ =	shalt  }
0x56: {  	_ =	shalt  }
0x57: {  	_ =	shalt  }
0x58: {  	_ =	shalt  }
0x59: {  	_ =	shalt  }
0x5a: {  	_ =	shalt  }
0x5b: {  	_ =	shalt  }
0x5c: {  	_ =	shalt  }
0x5d: {  	_ =	shalt  }
0x5e: {  	_ =	shalt  }
0x5f: {  	_ =	shalt  }
0x60: {  	_ =	shalt  }
0x61: {  	_ =	shalt  }
0x62: {  	_ =	shalt  }
0x63: {  	_ =	shalt  }
0x64: {  	_ =	shalt  }
0x65: {  	_ =	shalt  }
0x66: {  	_ =	shalt  }
0x67: {  	_ =	shalt  }
0x68: {  	_ =	shalt  }
0x69: {  	_ =	shalt  }
0x6a: {  	_ =	shalt  }
0x6b: {  	_ =	shalt  }
0x6c: {  	_ =	shalt  }
0x6d: {  	_ =	shalt  }
0x6e: {  	_ =	shalt  }
0x6f: {  	_ =	shalt  }
0x70: {  	_ =	shalt  }
0x71: {  	_ =	shalt  }
0x72: {  	_ =	shalt  }
0x73: {  	_ =	shalt  }
0x74: {  	_ =	shalt  }
0x75: {  	_ =	shalt  }
0x76: {  	_ =	shalt  }
0x77: {  	_ =	shalt  }
0x78: {  	_ =	shalt  }
0x79: {  	_ =	shalt  }
0x7a: {  	_ =	shalt  }
0x7b: {  	_ =	shalt  }
0x7c: {  	_ =	shalt  }
0x7d: {  	_ =	shalt  }
0x7e: {  	_ =	shalt  }
0x7f: {  	_ =	shalt  }
0x80: {  	_ =	shalt  }
0x81: {  	_ =	shalt  }
0x82: {  	_ =	shalt  }
0x83: {  	_ =	shalt  }
0x84: {  	_ =	shalt  }
0x85: {  	_ =	shalt  }
0x86: {  	_ =	shalt  }
0x87: {  	_ =	shalt  }
.Lfunc_end0:
.L_simem_size_0:
called_computation_lowered:
.L_overlay_start_0:
0x88: {  	s2 =	sld [smem:$0x3FD9]  }
0x89: {  	s3 =	sld [smem:$0x3FFE];
	_ =	sdelay $0x1  }
0x8a: {  	s1 =	srdreg.scid  }
0x8b: {  	s0 =	sand.u32 $0x1, s1  }
0x8c: {  	s17 =	sshll.u32 s0, $0xA;
	s2 =	sadd.s32 s3, s2  }
0x8d: {  	s2 =	sadd.s32 s2, s17  }
0x8e: {  	[smem:$0x3FAE] =	sst s2  }
0x8f: {  	_ = 	snop  }
0x90: {  	s2 =	sld [smem:$0x3FD0];
	(tm) =	ssettm $0x1  }
0x91: {  	s18 =	sld [smem:$0x3FFB];
	_ =	sdelay $0x3  }
0x92: {  	_ =	strace s18  }
0x93: {  	s3 =	sld [smem:$0x3FFC];
	_ =	sdelay $0x3  }
0x94: {  	_ =	strace s3  }
0x95: {  	s3 =	sld [smem:$0x3FFD];
	_ =	sdelay $0x3  }
0x96: {  	_ =	strace s3  }
0x97: {  	_ =	strace $0x8FFFFFFF  }
0x98: {  	s19 =	sld [smem:$0x3FDB];
	_ =	sdelay $0x1  }
0x99: {  	s4 =	simm.s32 $_scs_section_size  }
0x9a: {  	s5 =	simm.s32 $_size__tile_overlayer_lowered;
	s6 =	simm.s32 $_tile_overlayer_lowered  }
0x9b: {  	s22 =	simm.s32 $0x1BFF;
	s21 =	sshll.u32 s6, $0x1;
	s3 =	sadd.s32 s4, s19  }
0x9c: {  	s7 =	simm.s32 $0x0;
	s20 =	sshll.u32 s5, $0x1;
	s5 =	sadd.s32 s21, s3  }
0x9d: {  	[timem:s7], [sflag:s22] =	dma.local [hbm:s5], s20  }
0x9e: {  	_ =	swait.ge [sflag:s22], s20  }
0x9f: {  	s4 =	ssub.s32 $0x0, s20;
	[sflag:s22] =	ssyncset.done $0x0  }
0xa0: {  	[sflag:s22] =	ssyncadd.s32 s4;
	_ =	sdelay $0x1  }
0xa1: {  	s23 =	simm.s32 $0x1B8B  }
0xa2: {  	_ =	swait.ge [sflag:s23], $0x1  }
0xa3: {  	[sflag:s23] =	ssyncset.done $0x0  }
0xa4: {  	s25 =	simm.s32 $0x1B8E;
	s24 =	sld [smem:$0x3FFE];
	[sflag:s23] =	ssyncadd.s32 $0xFFFFFFFF  }
0xa5: {  	s26 =	simm.s32 $execute0_lowered;
	[smem:$0x3FD2] =	sst s25  }
0xa6: {  	s5 =	sshll.u32 s26, $0x1;
	_ =	strace $0x80000046;
	[dreg:$0x1] =	wrdreg $0xFFFFFFFF  }
0xa7: {  	s28 =	simm.s32 $_size_execute0_lowered;
	s3 =	sadd.s32 s3, s5;
	[dreg:$0x0] =	wrdreg $0x0  }
0xa8: {  	s5 =	sshll.u32 s28, $0x1;
	[dreg:$0x2] =	wrdreg s3  }
0xa9: {  	[dreg:$0x3] =	wrdreg s5  }
0xaa: {  	[dreg:$0x4] =	wrdreg $0xC0  }
0xab: {  	_ =	task [dreg:s7], $0x5FFFF  }
0xac: {  	[dreg:$0x1] =	wrdreg $0xFFFFFFFF  }
0xad: {  	[dreg:$0x0] =	wrdreg $0x60  }
0xae: {  	[dreg:$0x2] =	wrdreg s2  }
0xaf: {  	[dreg:$0x3] =	wrdreg s24  }
0xb0: {  	[dreg:$0x4] =	wrdreg $0x9  }
0xb1: {  	_ =	task.clear_ibuf [dreg:s7], $0x5FFFF;
	_ =	strace $0x90000046  }
0xb2: {  	s29 =	simm.s32 $0x9;
	_ =	strace $0x80000048  }
0xb3: {  	_ =	swait.ge [sflag:s29], $0x1  }
0xb4: {  	[sflag:s29] =	ssyncadd.s32 $0xFFFFFFFF  }
0xb5: {  	_ =	strace $0x90000048  }
0xb6: {  	_ =	sfence  }
0xb7: {  	s30 =	sld [smem:$0x0];
	_ =	sdelay $0x2  }
0xb8: {  	s31 =	sshll.u32 s1, $0xD;
	s1 =	sshrl.u32 s1, $0x2  }
0xb9: {  	s3 =	sand.u32 $0x4000, s31;
	s1 =	sadd.s32 s1, s30  }
0xba: {  	s0 =	sor.u32 s3, s0;
	s1 =	sshll.u32 s1, $0x11  }
0xbb: {  	s0 =	sor.u32 s1, s0  }
0xbc: {  	s0 =	sadd.s32 $0x8F2B, s0  }
0xbd: {  	[sflag:s0] =	ssyncadd.remote.s32 $0x1  }
0xbe: {  	_ =	sfence.sel $0xFFFF  }
0xbf: {  	[dreg:$0x0] =	wrdreg $0xFFFFFFFF;
	(pc) =	sbr.abs _section_cstart, $3  }
0xc0: {  	[dreg:$0x1] =	wrdreg $0xFFFFFFFF  }
0xc1: {  	_ =	task.clear_ibuf [dreg:s7], $0x2FFFF;
	_ =	strace $0x9FFFFFFF  }
0xc2: {  	(tm) =	ssettm $0x7FFFFFFF  }
0xc3: {  	_ =	shalt  }
tec
execute0_lowered:
.L_overlay_start_1:
0x0: {  	(tag) =	ssettag $0x1  }
0x1: {  	s0 =	srdreg.scid;
	s2 =	rddreg [dreg:$0x0]  }
0x2: {  	s10 =	stileid.u32;
	s5 =	rddreg [dreg:$0x1]  }
0x3: {  	s3 =	simm.s32 $0x0;
	s12 =	simm.s32 $0x7;
	s15 =	simm.s32 $0x50  }
0x4: {  	s16 =	simm.s32 $0x7530;
	s17 =	simm.s32 $0x7F30;
	s18 =	simm.s32 $0x8930  }
0x5: {  	s19 =	simm.s32 $0x9D30;
	s28 =	simm.s32 $0x40;
	s20 =	smul.u32 $0x4E20, s10  }
0x6: {  	s0 =	sand.u32 $0x1, s0;
	s1 =	sshll.u32 s10, $0x1;
	s23 =	smul.u32 $0x4E200, s10  }
0x7: {  	s29 =	simm.s32 $0x4;
	s1 =	sor.u32 s0, s1;
	s22 =	smul.u32 $0x2710, s0  }
0x8: {  	s30 =	simm.s32 $0x5;
	s31 =	simm.s32 $0x6;
	s4 =	smul.u32 $0x2710, s1  }
0x9: {  	[smem:$0x7FF] =	sst s3;
	s7 =	ssub.s32 $0x2, s0;
	s1 =	smul.u32 $0x138800, s1  }
0xa: {  	_ =	strace $0x80000047;
	s0 =	smul.u32 $0x27100, s0;
	s8 =	sshrl.u32 s7, $0x1  }
0xb: {  	s7 =	ssub.s32 s7, s8;
	s4 =	sshrl.u32 s4, $0x3;
	s1 =	sshrl.u32 s1, $0x3  }
0xc: {  	s7 =	smax.u32 s7, $0x1;
	s6 =	sadd.s32 s4, s5;
	s4 =	sadd.s32 $0x1C00, s5  }
0xd: {  	s5 =	sadd.s32 $0x21600, s5;
	[dreg:$0x6] =	wrdreg s7;
	s9 =	sadd.s32 $0xDA00, s6  }
0xe: {  	s21 =	sadd.s32 $0x3C00, s6;
	s6 =	sadd.s32 $0x17800, s6;
	[dreg:$0x3] =	wrdreg s9  }
0xf: {  	s1 =	sadd.s32 s5, s1;
	s24 =	sadd.s32 s23, s5;
	[dreg:$0x4] =	wrdreg s21  }
0x10: {  	s23 =	simm.s32 $0x2;
	[dreg:$0x5] =	wrdreg s6;
	s9 =	sadd.s32 s22, s20  }
0x11: {  	s8 =	sadd.s32 $0x26C00, s1;
	s10 =	sadd.s32 s0, s24;
	s20 =	simm.s32 $0xA730  }
0x12: {  	s21 =	simm.s32 $0xB130;
	s22 =	simm.s32 $0x1;
	s25 =	sshll.u32 s9, $0x4  }
0x13: {  	s24 =	simm.s32 $0x3;
	s1 =	simm.s32 $0x0;
	s26 =	sadd.s32 s5, s25  }
0x14: {  	s25 =	simm.s32 $0x20;
	s11 =	sadd.s32 $0x500, s26;
	s26 =	simm.s32 $0x80  }
.LBB2_1:
0x15: {  	s0 =	rddreg [dreg:$0x3]  }
0x16: {  	[tilespmem:s3], [sflag:$0x7] =	stream.linear.gather [hbm4b:s0+s3], $0x2710, $0x38;
	[tilespmem:$0xC530] =	vst v63  }
0x17: {  	_ =	swait.ge [sflag:s12], $0x2710  }
0x18: {  	[sflag:s12] =	ssyncset.done $0x0  }
0x19: {  	s5 =	simm.s32 $0x2710;
	s13 =	rddreg [dreg:$0x4];
	[sflag:s12] =	ssyncadd.s32 $0xFFFFD8F0  }
0x1a: {  	[tilespmem:s5], [sflag:$0x7] =	stream.linear.gather [hbm4b:s13+s3], $0x2710, $0x38;
	[tilespmem:$0xC530] =	vst v63  }
0x1b: {  	_ =	swait.ge [sflag:s12], $0x2710  }
0x1c: {  	[sflag:s12] =	ssyncset.done $0x0  }
0x1d: {  	s6 =	simm.s32 $0x4E20;
	s14 =	rddreg [dreg:$0x5];
	[sflag:s12] =	ssyncadd.s32 $0xFFFFD8F0  }
0x1e: {  	[tilespmem:s6], [sflag:$0x7] =	stream.linear.gather [hbm4b:s14+s3], $0x2710, $0x38;
	[tilespmem:$0xC530] =	vst v63  }
0x1f: {  	_ =	swait.ge [sflag:s12], $0x2710  }
0x20: {  	[sflag:s12] =	ssyncset.done $0x0  }
0x21: {  	[sflag:s12] =	ssyncadd.s32 $0xFFFFD8F0  }
0x22: {  	[tilespmem:s16], [sflag:$0x1] =	stream.indirect.gather [hbm4b:s2+s15], $0x20, s3, s15, $0xb8;
	[tilespmem:$0xC530] =	vst v63  }
0x23: {  	_ = 	snop  }
0x24: {  	[tilespmem:s17], [sflag:$0x2] =	stream.indirect.gather [hbm4b:s2+s15], $0x20, s5, s15, $0xb8;
	[tilespmem:$0xC530] =	vst v63  }
0x25: {  	_ = 	snop  }
0x26: {  	[tilespmem:s18], [sflag:$0x3] =	stream.indirect.gather [hbm4b:s4+s15], $0x40, s6, s15, $0xb8;
	[tilespmem:$0xC530] =	vst v63  }
0x27: {  	s7 =	simm.s32 $0x50  }
0x28: {  	[tilespmem:s19], [sflag:$0x4] =	stream.indirect.gather [hbm4b:s2+s15], $0x20, s7, s15, $0xb8;
	[tilespmem:$0xC530] =	vst v63  }
0x29: {  	s9 =	simm.s32 $0x2760  }
0x2a: {  	[tilespmem:s20], [sflag:$0x5] =	stream.indirect.gather [hbm4b:s2+s15], $0x20, s9, s15, $0xb8;
	[tilespmem:$0xC530] =	vst v63  }
0x2b: {  	s13 =	simm.s32 $0x4E70  }
0x2c: {  	[tilespmem:s21], [sflag:$0x6] =	stream.indirect.gather [hbm4b:s4+s15], $0x40, s13, s15, $0xb8;
	[tilespmem:$0xC530] =	vst v63  }
0x2d: {  	_ =	swait.ge [sflag:s22], $0xA00  }
0x2e: {  	[sflag:s22] =	ssyncset.done $0x0  }
0x2f: {  	[sflag:s22] =	ssyncadd.s32 $0xFFFFF600  }
0x30: {  	_ =	swait.ge [sflag:s23], $0xA00  }
0x31: {  	[sflag:s23] =	ssyncset.done $0x0  }
0x32: {  	[sflag:s23] =	ssyncadd.s32 $0xFFFFF600  }
0x33: {  	_ =	swait.ge [sflag:s24], $0x1400  }
0x34: {  	[sflag:s24] =	ssyncset.done $0x0  }
0x35: {  	[sflag:s24] =	ssyncadd.s32 $0xFFFFEC00  }
0x36: {  	[hbm4b:s10+s25] =	stream.strided.scatter [tilespmem:s16], [sflag:$0x7], $0xA00, s26, s25, $0x38;
	[tilespmem:$0xC530] =	vst v63  }
0x37: {  	_ =	swait.ge [sflag:s12], $0xA00  }
0x38: {  	[sflag:s12] =	ssyncset.done $0x0  }
0x39: {  	s14 =	sadd.s32 $0x4, s10;
	[sflag:s12] =	ssyncadd.s32 $0xFFFFF600  }
0x3a: {  	[hbm4b:s14+s25] =	stream.strided.scatter [tilespmem:s17], [sflag:$0x7], $0xA00, s26, s25, $0x38;
	[tilespmem:$0xC530] =	vst v63  }
0x3b: {  	_ =	swait.ge [sflag:s12], $0xA00  }
0x3c: {  	[sflag:s12] =	ssyncset.done $0x0  }
0x3d: {  	s5 =	sadd.s32 $0x8, s10;
	[sflag:s12] =	ssyncadd.s32 $0xFFFFF600  }
0x3e: {  	[hbm4b:s5+s28] =	stream.strided.scatter [tilespmem:s18], [sflag:$0x7], $0x1400, s26, s28, $0x38;
	[tilespmem:$0xC530] =	vst v63  }
0x3f: {  	_ =	swait.ge [sflag:s12], $0x1400  }
0x40: {  	[sflag:s12] =	ssyncset.done $0x0  }
0x41: {  	s6 =	simm.s32 $0xA0;
	[sflag:s12] =	ssyncadd.s32 $0xFFFFEC00  }
0x42: {  	[tilespmem:s16], [sflag:$0x1] =	stream.indirect.gather [hbm4b:s2+s15], $0x20, s6, s15, $0xb8;
	[tilespmem:$0xC530] =	vst v63  }
0x43: {  	s7 =	simm.s32 $0x27B0  }
0x44: {  	[tilespmem:s17], [sflag:$0x2] =	stream.indirect.gather [hbm4b:s2+s15], $0x20, s7, s15, $0xb8;
	[tilespmem:$0xC530] =	vst v63  }
0x45: {  	s9 =	simm.s32 $0x4EC0  }
0x46: {  	[tilespmem:s18], [sflag:$0x3] =	stream.indirect.gather [hbm4b:s4+s15], $0x40, s9, s15, $0xb8;
	[tilespmem:$0xC530] =	vst v63  }
0x47: {  	_ =	swait.ge [sflag:s29], $0xA00  }
0x48: {  	[sflag:s29] =	ssyncset.done $0x0  }
0x49: {  	[sflag:s29] =	ssyncadd.s32 $0xFFFFF600  }
0x4a: {  	_ =	swait.ge [sflag:s30], $0xA00  }
0x4b: {  	[sflag:s30] =	ssyncset.done $0x0  }
0x4c: {  	[sflag:s30] =	ssyncadd.s32 $0xFFFFF600  }
0x4d: {  	_ =	swait.ge [sflag:s31], $0x1400  }
0x4e: {  	[sflag:s31] =	ssyncset.done $0x0  }
0x4f: {  	[sflag:s31] =	ssyncadd.s32 $0xFFFFEC00  }
0x50: {  	[hbm4b:s11+s25] =	stream.strided.scatter [tilespmem:s19], [sflag:$0x7], $0xA00, s26, s25, $0x38;
	[tilespmem:$0xC530] =	vst v63  }
0x51: {  	_ =	swait.ge [sflag:s12], $0xA00  }
0x52: {  	[sflag:s12] =	ssyncset.done $0x0  }
0x53: {  	s13 =	sadd.s32 $0x4, s11;
	[sflag:s12] =	ssyncadd.s32 $0xFFFFF600  }
0x54: {  	[hbm4b:s13+s25] =	stream.strided.scatter [tilespmem:s20], [sflag:$0x7], $0xA00, s26, s25, $0x38;
	[tilespmem:$0xC530] =	vst v63  }
0x55: {  	_ =	swait.ge [sflag:s12], $0xA00  }
0x56: {  	[sflag:s12] =	ssyncset.done $0x0  }
0x57: {  	s14 =	sadd.s32 $0x8, s11;
	[sflag:s12] =	ssyncadd.s32 $0xFFFFF600  }
0x58: {  	[hbm4b:s14+s28] =	stream.strided.scatter [tilespmem:s21], [sflag:$0x7], $0x1400, s26, s28, $0x38;
	[tilespmem:$0xC530] =	vst v63  }
0x59: {  	s0 =	sadd.s32 $0xA00, s11;
	s5 =	sadd.s32 $0xA00, s10;
	_ =	swait.ge [sflag:s12], $0x1400  }
0x5a: {  	s6 =	simm.s32 $0xA0;
	s7 =	simm.s32 $0x500;
	[sflag:s12] =	ssyncset.done $0x0  }
.LBB2_2:
0x5b: {  	s14 =	sadd.s32 $0x50, s6  }
0x5c: {  	[sflag:s12] =	ssyncadd.s32 $0xFFFFEC00;
	s13 =	smov.u32 s7;
	s9 =	sadd.s32 $0x280, s7  }
0x5d: {  	[tilespmem:s19], [sflag:$0x4] =	stream.indirect.gather [hbm4b:s2+s15], $0x20, s14, s15, $0xb8;
	[tilespmem:$0xC530] =	vst v63  }
0x5e: {  	p0 =	sne.s32 s7, $0x9880;
	s7 =	sadd.s32 $0x2760, s6  }
0x5f: {  	[tilespmem:s20], [sflag:$0x5] =	stream.indirect.gather [hbm4b:s2+s15], $0x20, s7, s15, $0xb8;
	[tilespmem:$0xC530] =	vst v63  }
0x60: {  	s7 =	sadd.s32 $0x4E70, s6  }
0x61: {  	[tilespmem:s21], [sflag:$0x6] =	stream.indirect.gather [hbm4b:s4+s15], $0x40, s7, s15, $0xb8;
	[tilespmem:$0xC530] =	vst v63  }
0x62: {  	_ =	swait.ge [sflag:s22], $0xA00  }
0x63: {  	[sflag:s22] =	ssyncset.done $0x0  }
0x64: {  	[sflag:s22] =	ssyncadd.s32 $0xFFFFF600  }
0x65: {  	_ =	swait.ge [sflag:s23], $0xA00  }
0x66: {  	[sflag:s23] =	ssyncset.done $0x0  }
0x67: {  	[sflag:s23] =	ssyncadd.s32 $0xFFFFF600  }
0x68: {  	_ =	swait.ge [sflag:s24], $0x1400  }
0x69: {  	[sflag:s24] =	ssyncset.done $0x0  }
0x6a: {  	[sflag:s24] =	ssyncadd.s32 $0xFFFFEC00  }
0x6b: {  	[hbm4b:s5+s25] =	stream.strided.scatter [tilespmem:s16], [sflag:$0x7], $0xA00, s26, s25, $0x38;
	[tilespmem:$0xC530] =	vst v63  }
0x6c: {  	_ =	swait.ge [sflag:s12], $0xA00  }
0x6d: {  	[sflag:s12] =	ssyncset.done $0x0  }
0x6e: {  	s7 =	sadd.s32 $0x4, s5;
	[sflag:s12] =	ssyncadd.s32 $0xFFFFF600  }
0x6f: {  	[hbm4b:s7+s25] =	stream.strided.scatter [tilespmem:s17], [sflag:$0x7], $0xA00, s26, s25, $0x38;
	[tilespmem:$0xC530] =	vst v63  }
0x70: {  	_ =	swait.ge [sflag:s12], $0xA00  }
0x71: {  	[sflag:s12] =	ssyncset.done $0x0  }
0x72: {  	s7 =	sadd.s32 $0x8, s5;
	[sflag:s12] =	ssyncadd.s32 $0xFFFFF600  }
0x73: {  	[hbm4b:s7+s28] =	stream.strided.scatter [tilespmem:s18], [sflag:$0x7], $0x1400, s26, s28, $0x38;
	[tilespmem:$0xC530] =	vst v63  }
0x74: {  	_ =	swait.ge [sflag:s12], $0x1400  }
0x75: {  	[sflag:s12] =	ssyncset.done $0x0  }
0x76: {  	s7 =	sadd.s32 $0xA0, s6;
	[sflag:s12] =	ssyncadd.s32 $0xFFFFEC00  }
0x77: {  	[tilespmem:s16], [sflag:$0x1] =	stream.indirect.gather [hbm4b:s2+s15], $0x20, s7, s15, $0xb8;
	[tilespmem:$0xC530] =	vst v63  }
0x78: {  	s7 =	sadd.s32 $0x27B0, s6  }
0x79: {  	[tilespmem:s17], [sflag:$0x2] =	stream.indirect.gather [hbm4b:s2+s15], $0x20, s7, s15, $0xb8;
	[tilespmem:$0xC530] =	vst v63  }
0x7a: {  	s6 =	sadd.s32 $0x4EC0, s6  }
0x7b: {  	[tilespmem:s18], [sflag:$0x3] =	stream.indirect.gather [hbm4b:s4+s15], $0x40, s6, s15, $0xb8;
	[tilespmem:$0xC530] =	vst v63  }
0x7c: {  	_ =	swait.ge [sflag:s29], $0xA00  }
0x7d: {  	[sflag:s29] =	ssyncset.done $0x0  }
0x7e: {  	[sflag:s29] =	ssyncadd.s32 $0xFFFFF600  }
0x7f: {  	_ =	swait.ge [sflag:s30], $0xA00  }
0x80: {  	[sflag:s30] =	ssyncset.done $0x0  }
0x81: {  	[sflag:s30] =	ssyncadd.s32 $0xFFFFF600  }
0x82: {  	_ =	swait.ge [sflag:s31], $0x1400  }
0x83: {  	[sflag:s31] =	ssyncset.done $0x0  }
0x84: {  	[sflag:s31] =	ssyncadd.s32 $0xFFFFEC00  }
0x85: {  	[hbm4b:s0+s25] =	stream.strided.scatter [tilespmem:s19], [sflag:$0x7], $0xA00, s26, s25, $0x38;
	[tilespmem:$0xC530] =	vst v63  }
0x86: {  	_ =	swait.ge [sflag:s12], $0xA00  }
0x87: {  	[sflag:s12] =	ssyncset.done $0x0  }
0x88: {  	s6 =	sadd.s32 $0x4, s0;
	[sflag:s12] =	ssyncadd.s32 $0xFFFFF600  }
0x89: {  	[hbm4b:s6+s25] =	stream.strided.scatter [tilespmem:s20], [sflag:$0x7], $0xA00, s26, s25, $0x38;
	[tilespmem:$0xC530] =	vst v63  }
0x8a: {  	_ =	swait.ge [sflag:s12], $0xA00  }
.Ltmp0:
0x8b: {  	[sflag:s12] =	ssyncset.done $0x0;
	(pc) =	sbr.rel @p0 .LBB2_2-.Ltmp0, $4  }
0x8c: {  	s6 =	sadd.s32 $0x8, s0;
	[sflag:s12] =	ssyncadd.s32 $0xFFFFF600  }
0x8d: {  	[hbm4b:s6+s28] =	stream.strided.scatter [tilespmem:s21], [sflag:$0x7], $0x1400, s26, s28, $0x38;
	[tilespmem:$0xC530] =	vst v63  }
0x8e: {  	s5 =	sadd.s32 $0xA00, s5;
	s0 =	sadd.s32 $0xA00, s0;
	_ =	swait.ge [sflag:s12], $0x1400  }
0x8f: {  	s7 =	smov.u32 s9;
	s6 =	sshra.s32 s13, $0x2;
	[sflag:s12] =	ssyncset.done $0x0  }
0x90: {  	s7 =	sadd.s32 $0x50, s6;
	[sflag:s12] =	ssyncadd.s32 $0xFFFFEC00  }
0x91: {  	[tilespmem:s19], [sflag:$0x4] =	stream.indirect.gather [hbm4b:s2+s15], $0x20, s7, s15, $0xb8;
	[tilespmem:$0xC530] =	vst v63  }
0x92: {  	s9 =	sadd.s32 $0x2760, s6  }
0x93: {  	[tilespmem:s20], [sflag:$0x5] =	stream.indirect.gather [hbm4b:s2+s15], $0x20, s9, s15, $0xb8;
	[tilespmem:$0xC530] =	vst v63  }
0x94: {  	s13 =	sadd.s32 $0x4E70, s6  }
0x95: {  	[tilespmem:s21], [sflag:$0x6] =	stream.indirect.gather [hbm4b:s4+s15], $0x40, s13, s15, $0xb8;
	[tilespmem:$0xC530] =	vst v63  }
0x96: {  	_ =	swait.ge [sflag:s22], $0xA00  }
0x97: {  	[sflag:s22] =	ssyncset.done $0x0  }
0x98: {  	[sflag:s22] =	ssyncadd.s32 $0xFFFFF600  }
0x99: {  	_ =	swait.ge [sflag:s23], $0xA00  }
0x9a: {  	[sflag:s23] =	ssyncset.done $0x0  }
0x9b: {  	[sflag:s23] =	ssyncadd.s32 $0xFFFFF600  }
0x9c: {  	_ =	swait.ge [sflag:s24], $0x1400  }
0x9d: {  	[sflag:s24] =	ssyncset.done $0x0  }
0x9e: {  	[sflag:s24] =	ssyncadd.s32 $0xFFFFEC00  }
0x9f: {  	[hbm4b:s5+s25] =	stream.strided.scatter [tilespmem:s16], [sflag:$0x7], $0xA00, s26, s25, $0x38;
	[tilespmem:$0xC530] =	vst v63  }
0xa0: {  	_ =	swait.ge [sflag:s12], $0xA00  }
0xa1: {  	[sflag:s12] =	ssyncset.done $0x0  }
0xa2: {  	s14 =	sadd.s32 $0x4, s5;
	[sflag:s12] =	ssyncadd.s32 $0xFFFFF600  }
0xa3: {  	[hbm4b:s14+s25] =	stream.strided.scatter [tilespmem:s17], [sflag:$0x7], $0xA00, s26, s25, $0x38;
	[tilespmem:$0xC530] =	vst v63  }
0xa4: {  	_ =	swait.ge [sflag:s12], $0xA00  }
0xa5: {  	[sflag:s12] =	ssyncset.done $0x0  }
0xa6: {  	s7 =	sadd.s32 $0x8, s5;
	[sflag:s12] =	ssyncadd.s32 $0xFFFFF600  }
0xa7: {  	[hbm4b:s7+s28] =	stream.strided.scatter [tilespmem:s18], [sflag:$0x7], $0x1400, s26, s28, $0x38;
	[tilespmem:$0xC530] =	vst v63  }
0xa8: {  	_ =	swait.ge [sflag:s12], $0x1400  }
0xa9: {  	[sflag:s12] =	ssyncset.done $0x0  }
0xaa: {  	s9 =	sadd.s32 $0xA0, s6;
	[sflag:s12] =	ssyncadd.s32 $0xFFFFEC00  }
0xab: {  	[tilespmem:s16], [sflag:$0x1] =	stream.indirect.gather [hbm4b:s2+s15], $0x20, s9, s15, $0xb8;
	[tilespmem:$0xC530] =	vst v63  }
0xac: {  	s13 =	sadd.s32 $0x27B0, s6  }
0xad: {  	[tilespmem:s17], [sflag:$0x2] =	stream.indirect.gather [hbm4b:s2+s15], $0x20, s13, s15, $0xb8;
	[tilespmem:$0xC530] =	vst v63  }
0xae: {  	s14 =	sadd.s32 $0x4EC0, s6  }
0xaf: {  	[tilespmem:s18], [sflag:$0x3] =	stream.indirect.gather [hbm4b:s4+s15], $0x40, s14, s15, $0xb8;
	[tilespmem:$0xC530] =	vst v63  }
0xb0: {  	_ =	swait.ge [sflag:s29], $0xA00  }
0xb1: {  	[sflag:s29] =	ssyncset.done $0x0  }
0xb2: {  	[sflag:s29] =	ssyncadd.s32 $0xFFFFF600  }
0xb3: {  	_ =	swait.ge [sflag:s30], $0xA00  }
0xb4: {  	[sflag:s30] =	ssyncset.done $0x0  }
0xb5: {  	[sflag:s30] =	ssyncadd.s32 $0xFFFFF600  }
0xb6: {  	_ =	swait.ge [sflag:s31], $0x1400  }
0xb7: {  	[sflag:s31] =	ssyncset.done $0x0  }
0xb8: {  	[sflag:s31] =	ssyncadd.s32 $0xFFFFEC00  }
0xb9: {  	[hbm4b:s0+s25] =	stream.strided.scatter [tilespmem:s19], [sflag:$0x7], $0xA00, s26, s25, $0x38;
	[tilespmem:$0xC530] =	vst v63  }
0xba: {  	_ =	swait.ge [sflag:s12], $0xA00  }
0xbb: {  	[sflag:s12] =	ssyncset.done $0x0  }
0xbc: {  	s6 =	sadd.s32 $0x4, s0;
	[sflag:s12] =	ssyncadd.s32 $0xFFFFF600  }
0xbd: {  	[hbm4b:s6+s25] =	stream.strided.scatter [tilespmem:s20], [sflag:$0x7], $0xA00, s26, s25, $0x38;
	[tilespmem:$0xC530] =	vst v63  }
0xbe: {  	_ =	swait.ge [sflag:s12], $0xA00  }
0xbf: {  	[sflag:s12] =	ssyncset.done $0x0  }
0xc0: {  	s7 =	sadd.s32 $0x8, s0;
	[sflag:s12] =	ssyncadd.s32 $0xFFFFF600  }
0xc1: {  	[hbm4b:s7+s28] =	stream.strided.scatter [tilespmem:s21], [sflag:$0x7], $0x1400, s26, s28, $0x38;
	[tilespmem:$0xC530] =	vst v63  }
0xc2: {  	_ =	swait.ge [sflag:s12], $0x1400  }
0xc3: {  	[sflag:s12] =	ssyncset.done $0x0  }
0xc4: {  	[sflag:s12] =	ssyncadd.s32 $0xFFFFEC00  }
0xc5: {  	_ =	swait.ge [sflag:s22], $0xA00  }
0xc6: {  	[sflag:s22] =	ssyncset.done $0x0  }
0xc7: {  	[sflag:s22] =	ssyncadd.s32 $0xFFFFF600  }
0xc8: {  	_ =	swait.ge [sflag:s23], $0xA00  }
0xc9: {  	[sflag:s23] =	ssyncset.done $0x0  }
0xca: {  	[sflag:s23] =	ssyncadd.s32 $0xFFFFF600  }
0xcb: {  	_ =	swait.ge [sflag:s24], $0x1400  }
0xcc: {  	[sflag:s24] =	ssyncset.done $0x0  }
0xcd: {  	[sflag:s24] =	ssyncadd.s32 $0xFFFFEC00  }
0xce: {  	[hbm4b:s8+s25] =	stream.strided.scatter [tilespmem:s16], [sflag:$0x7], $0xA00, s26, s25, $0x38;
	[tilespmem:$0xC530] =	vst v63  }
0xcf: {  	_ =	swait.ge [sflag:s12], $0xA00  }
0xd0: {  	[sflag:s12] =	ssyncset.done $0x0  }
0xd1: {  	s9 =	sadd.s32 $0x4, s8;
	[sflag:s12] =	ssyncadd.s32 $0xFFFFF600  }
0xd2: {  	[hbm4b:s9+s25] =	stream.strided.scatter [tilespmem:s17], [sflag:$0x7], $0xA00, s26, s25, $0x38;
	[tilespmem:$0xC530] =	vst v63  }
0xd3: {  	_ =	swait.ge [sflag:s12], $0xA00  }
0xd4: {  	[sflag:s12] =	ssyncset.done $0x0  }
0xd5: {  	s13 =	sadd.s32 $0x8, s8;
	[sflag:s12] =	ssyncadd.s32 $0xFFFFF600  }
0xd6: {  	[hbm4b:s13+s28] =	stream.strided.scatter [tilespmem:s18], [sflag:$0x7], $0x1400, s26, s28, $0x38;
	[tilespmem:$0xC530] =	vst v63  }
0xd7: {  	_ =	swait.ge [sflag:s12], $0x1400  }
0xd8: {  	s1 =	sadd.s32 $0x1, s1;
	s14 =	rddreg [dreg:$0x6]  }
0xd9: {  	p0 =	sne.s32 s1, s14  }
.Ltmp1:
0xda: {  	_ = 	snop;
	(pc) =	sbr.rel @p0 .LBB2_1-.Ltmp1, $3  }
0xdb: {  	_ =	sdelay $0x1  }
0xdc: {  	[sflag:s12] =	ssyncset.done $0x0  }
0xdd: {  	[sflag:s12] =	ssyncadd.s32 $0xFFFFEC00  }
0xde: {  	_ =	sfence.sel $0x180000  }
0xdf: {  	[bflag:$0x0] =	sbarrier.arrive $0xFFFF  }
0xe0: {  	_ =	strace $0x90000047  }
0xe1: {  	s0 =	stileid.u32;
	[bflag:$0x2] =	sbarrier.arrive $0xFFFF  }
0xe2: {  	p0 =	sne.s32 s0, $0x0;
	s0 =	rddreg [dreg:$0x2]  }
0xe3: {  	s0 =	sadd.s32 @!p0 $0x100000, s0  }
0xe4: {  	[sflag:s0] =	ssyncadd.tile.s32 @!p0 $0x1;
	_ =	shalt  }
.Lfunc_end2:
_tile_overlayer_lowered:
.L_overlay_start_2:
0xe5: {  	(tag) =	ssettag $0x2  }
0xe6: {  	s0 =	rddreg [dreg:$0x0];
	s2 =	stileid.u32  }
0xe7: {  	s1 =	rddreg [dreg:$0x1];
	p0 =	sne.s32 s2, $0x0  }
0xe8: {  	s3 =	rddreg [dreg:$0x2];
	[bflag:$0x3] =	sbarrier.arrive $0xFFFF;
	s2 =	simm.s32 @!p0 $0x1C07  }
0xe9: {  	[timem:s3], [sflag:s2] =	dma.local @!p0 [hbm:s0], s1  }
0xea: {  	s0 =	simm.s32 @!p0 $0x7  }
0xeb: {  	_ =	swait.ge @!p0 [sflag:s0], s1  }
0xec: {  	s1 =	ssub.s32 @!p0 $0x0, s1;
	[sflag:s0] =	ssyncset.done @!p0 $0x0  }
0xed: {  	[sflag:s0] =	ssyncadd.s32 @!p0 s1  }
0xee: {  	[bflag:$0x3] =	sbarrier.arrive $0xFFFF  }
0xef: {  	_ =	shalt  }

</sc_bundles>
